<compile_context>
chip_gen: v7x
topology: tpu7x:2x2x1
jax: 0.10.2.dev20260603
libtpu: 0.0.44.dev20260713+nightly
codegen_flags: <defaults>
</compile_context>

<pallas_src>
import functools

import jax
import jax.numpy as jnp
from jax import lax
from jax.experimental import pallas as pl
from jax.experimental.pallas import tpu as pltpu
from jax.experimental.pallas import tpu_sc as plsc

VOCAB = 100000
SEQ = 2048
BATCH = 4
HID = 768
EPS = 1e-12
N = BATCH * SEQ
NW = 32
TOK_PER_W = N // NW
CH = 32
NBUF = 4
NCH = TOK_PER_W // CH


def _make_sc_gather():
    mesh = plsc.VectorSubcoreMesh(core_axis_name="c", subcore_axis_name="s")

    @functools.partial(
        pl.kernel,
        out_type=jax.ShapeDtypeStruct((N, HID), jnp.float32),
        mesh=mesh,
        scratch_types=[
            pltpu.VMEM((TOK_PER_W,), jnp.int32),
            pltpu.VMEM((NBUF, CH, HID), jnp.float32),
        ] + [pltpu.SemaphoreType.DMA] * NBUF,
    )
    def gather_k(ids_hbm, table_hbm, out_hbm, idx_v, rows_v, *sems):
        wid = lax.axis_index("s") * 2 + lax.axis_index("c")
        base = wid * TOK_PER_W
        pltpu.sync_copy(ids_hbm.at[pl.ds(base, TOK_PER_W)], idx_v)

        def start(c):
            return pltpu.async_copy(
                table_hbm.at[idx_v.at[pl.ds(c * CH, CH)]],
                rows_v.at[c % NBUF], sems[c % NBUF])

        copies = [start(c) for c in range(NBUF - 1)]
        for c in range(NCH):
            if c + NBUF - 1 < NCH:
                copies.append(start(c + NBUF - 1))
            copies[c].wait()
            pltpu.sync_copy(rows_v.at[c % NBUF],
                            out_hbm.at[pl.ds(base + c * CH, CH)])

    return gather_k


_sc_gather = _make_sc_gather()

ROWS = 2048
SBLK = SEQ // ROWS


def _ln_body(x_ref, pos_ref, tt_ref, ttemb_ref, gamma_ref, beta_ref, o_ref):
    x = x_ref[...] + pos_ref[...]
    ttf = tt_ref[...]
    ttv = ttemb_ref[0:1, :] + ttf * (ttemb_ref[1:2, :] - ttemb_ref[0:1, :])
    x = x + ttv
    mean = jnp.mean(x, axis=-1, keepdims=True)
    xc = x - mean
    var = jnp.mean(xc * xc, axis=-1, keepdims=True)
    xn = xc * lax.rsqrt(var + EPS)
    o_ref[...] = xn * gamma_ref[...][None, :] + beta_ref[...][None, :]


_ln_call = pl.pallas_call(
    _ln_body,
    grid=(SBLK, BATCH),
    in_specs=[
        pl.BlockSpec((ROWS, HID), lambda i, j: (j * SBLK + i, 0)),
        pl.BlockSpec((ROWS, HID), lambda i, j: (i, 0)),
        pl.BlockSpec((ROWS, 1), lambda i, j: (j * SBLK + i, 0)),
        pl.BlockSpec((8, HID), lambda i, j: (0, 0)),
        pl.BlockSpec((HID,), lambda i, j: (0,)),
        pl.BlockSpec((HID,), lambda i, j: (0,)),
    ],
    out_specs=pl.BlockSpec((ROWS, HID), lambda i, j: (j * SBLK + i, 0)),
    out_shape=jax.ShapeDtypeStruct((N, HID), jnp.float32),
)


def kernel(input_ids, token_type_ids, word_embeddings, token_type_embeddings,
           position_embeddings, ln_gamma, ln_beta):
    ids = input_ids.reshape(N).astype(jnp.int32)
    tts = token_type_ids.reshape(N, 1).astype(jnp.float32)
    ttemb = jnp.concatenate(
        [token_type_embeddings,
         jnp.zeros((6, HID), token_type_embeddings.dtype)], axis=0)
    x = _sc_gather(ids, word_embeddings)
    out = _ln_call(x, position_embeddings, tts, ttemb, ln_gamma, ln_beta)
    return out.reshape(BATCH, SEQ, HID)

# --- scband reference (transcript-rebuilt; emitter-appended) ---
"""Pipeline reference for scband-bert-embeddings-layer-14860586844586 (READ-ONLY COPY).

The authoritative reference and input builder live on the scoring server;
editing this copy changes nothing except your own understanding.
"""

import jax, jax.numpy as jnp
import numpy as np

VOCAB = 100000
TT_VOCAB = 2
SEQ = 2048
BATCH = 4
HID = 768
EPS = 1e-12

def setup_inputs(seed: int = 0) -> dict:
    key = jax.random.key(seed)
    k1, k2, k3, k4, k5 = jax.random.split(key, 5)
    input_ids = jax.random.randint(k1, (BATCH, SEQ), 0, VOCAB, dtype=jnp.int64 if jax.config.jax_enable_x64 else jnp.int32)
    token_type_ids = jax.random.randint(k2, (BATCH, SEQ), 0, TT_VOCAB, dtype=jnp.int64 if jax.config.jax_enable_x64 else jnp.int32)
    word_embeddings = jax.random.normal(k3, (VOCAB, HID), dtype=jnp.float32) * 0.02
    token_type_embeddings = jax.random.normal(k4, (TT_VOCAB, HID), dtype=jnp.float32) * 0.02
    position_embeddings = jax.random.normal(k5, (SEQ, HID), dtype=jnp.float32) * 0.02
    ln_gamma = jnp.ones((HID,), dtype=jnp.float32)
    ln_beta = jnp.zeros((HID,), dtype=jnp.float32)
    return {
        "input_ids": input_ids,
        "token_type_ids": token_type_ids,
        "word_embeddings": word_embeddings,
        "token_type_embeddings": token_type_embeddings,
        "position_embeddings": position_embeddings,
        "ln_gamma": ln_gamma,
        "ln_beta": ln_beta,
    }

def _layer_norm(x, gamma, beta):
    mean = jnp.mean(x, axis=-1, keepdims=True)
    var = jnp.mean(jnp.square(x - mean), axis=-1, keepdims=True)
    xn = (x - mean) * jax.lax.rsqrt(var + EPS)
    return xn * gamma + beta

def reference(input_ids, token_type_ids, word_embeddings, token_type_embeddings, position_embeddings, ln_gamma, ln_beta):
    # word embedding lookup (SparseCore gather)
    embedding_output = jnp.take(word_embeddings, input_ids, axis=0)
    # token type embedding lookup
    embedding_output = embedding_output + jnp.take(token_type_embeddings, token_type_ids, axis=0)
    # position embeddings broadcast over batch: shape [1, SEQ, HID]
    embedding_output = embedding_output + jnp.reshape(position_embeddings, (1, SEQ, HID))
    # LayerNorm
    embedding_output = _layer_norm(embedding_output, ln_gamma, ln_beta)
    # dropout is identity at inference (training=None)
    return embedding_output

if __name__ == "__main__":
    import jax
    _d = setup_inputs()
    print(jax.jit(kernel)(*tuple(_d.values())))

</pallas_src>

<mosaic_0001>
#map = affine_map<(d0, d1) -> (0)>
#map1 = affine_map<(d0, d1) -> (0, 0)>
module attributes {stable_mosaic.version = 14 : i64} {
  func.func @gather_k(%arg0: i32, %arg1: i32, %arg2: memref<8192xi32, #tpu.memory_space<hbm>>, %arg3: memref<100000x768xf32, #tpu.memory_space<hbm>>, %arg4: memref<8192x768xf32, #tpu.memory_space<hbm>>, %arg5: memref<256xi32, #tpu.memory_space<vmem>>, %arg6: memref<4x32x768xf32, #tpu.memory_space<vmem>>, %arg7: memref<!tpu.dma_semaphore, #tpu.memory_space<semaphore_mem>>, %arg8: memref<!tpu.dma_semaphore, #tpu.memory_space<semaphore_mem>>, %arg9: memref<!tpu.dma_semaphore, #tpu.memory_space<semaphore_mem>>, %arg10: memref<!tpu.dma_semaphore, #tpu.memory_space<semaphore_mem>>) attributes {dimension_semantics = [#tpu.dimension_semantics<core_parallel>, #tpu.dimension_semantics<subcore_parallel>], iteration_bounds = array<i64: 2, 16>, scalar_prefetch = 0 : i64, scratch_operands = 6 : i64, tpu.core_type = #tpu.core_type<sc_vector_subcore>, window_params = [{transform_indices = #map}, {transform_indices = #map1}, {transform_indices = #map1}]} {
    %mul3A = arith.constant 2 : i32
    %mul3A_0 = arith.muli %arg1, %mul3A : i32
    %add3A = arith.addi %mul3A_0, %arg0 : i32
    %mul3A_1 = arith.constant 256 : i32
    %mul3A_2 = arith.muli %add3A, %mul3A_1 : i32
    "tpu.region"() ({
      %run_scoped3A_184 = tpu.sem_alloc : memref<!tpu.dma_semaphore, #tpu.memory_space<semaphore_mem>>
      %dma_start3A_185 = tpu.memref_slice %arg2[%mul3A_2] : memref<8192xi32, #tpu.memory_space<hbm>> -> memref<256xi32, #tpu.memory_space<hbm>>
      %dma_start3A_186 = tpu.memref_slice %arg2[%mul3A_2] : memref<8192xi32, #tpu.memory_space<hbm>> -> memref<256xi32, #tpu.memory_space<hbm>>
      tpu.enqueue_dma source(%dma_start3A_186 : memref<256xi32, #tpu.memory_space<hbm>>) target(%arg5 : memref<256xi32, #tpu.memory_space<vmem>>) target_semaphore(%run_scoped3A_184 : memref<!tpu.dma_semaphore, #tpu.memory_space<semaphore_mem>>)
      %dma_wait3A_187 = tpu.memref_slice %arg2[%mul3A_2] : memref<8192xi32, #tpu.memory_space<hbm>> -> memref<256xi32, #tpu.memory_space<hbm>>
      %dma_wait3A_188 = tpu.memref_slice %arg2[%mul3A_2] : memref<8192xi32, #tpu.memory_space<hbm>> -> memref<256xi32, #tpu.memory_space<hbm>>
      tpu.wait_dma2 semaphore(%run_scoped3A_184 : memref<!tpu.dma_semaphore, #tpu.memory_space<semaphore_mem>>) src(%dma_wait3A_188 : memref<256xi32, #tpu.memory_space<hbm>>) dst(%arg5 : memref<256xi32, #tpu.memory_space<vmem>>)
      tpu.yield
    }) : () -> ()
    %dma_start3A = arith.constant 0 : i32
    %dma_start3A_3 = arith.constant 0 : i32
    %dma_start3A_4 = arith.constant 0 : i32
    %dma_start3A_5 = tpu.memref_slice %arg6[%dma_start3A, %dma_start3A_3, %dma_start3A_4] : memref<4x32x768xf32, #tpu.memory_space<vmem>> -> memref<1x32x768xf32, #tpu.memory_space<vmem>>
    %dma_start3A_6 = tpu.memref_squeeze %dma_start3A_5 : memref<1x32x768xf32, #tpu.memory_space<vmem>> -> memref<32x768xf32, #tpu.memory_space<vmem>>
    %dma_start3A_7 = arith.constant 0 : i32
    %dma_start3A_8 = tpu.memref_slice %arg5[%dma_start3A_7] : memref<256xi32, #tpu.memory_space<vmem>> -> memref<32xi32, #tpu.memory_space<vmem>>
    %dma_start3A_9 = arith.constant 0 : i32
    %dma_start3A_10 = arith.constant 0 : i32
    %dma_start3A_11 = tpu.memref_slice %arg3[%dma_start3A_9, %dma_start3A_10] : memref<100000x768xf32, #tpu.memory_space<hbm>> -> memref<100000x768xf32, #tpu.memory_space<hbm>>
    tpu.enqueue_indirect_dma source(%dma_start3A_11 : memref<100000x768xf32, #tpu.memory_space<hbm>>) target(%dma_start3A_6 : memref<32x768xf32, #tpu.memory_space<vmem>>) offsets(%dma_start3A_8 : memref<32xi32, #tpu.memory_space<vmem>>) semaphore(%arg7 : memref<!tpu.dma_semaphore, #tpu.memory_space<semaphore_mem>>)
    %dma_start3A_12 = arith.constant 1 : i32
    %dma_start3A_13 = arith.constant 0 : i32
    %dma_start3A_14 = arith.constant 0 : i32
    %dma_start3A_15 = tpu.memref_slice %arg6[%dma_start3A_12, %dma_start3A_13, %dma_start3A_14] : memref<4x32x768xf32, #tpu.memory_space<vmem>> -> memref<1x32x768xf32, #tpu.memory_space<vmem>>
    %dma_start3A_16 = tpu.memref_squeeze %dma_start3A_15 : memref<1x32x768xf32, #tpu.memory_space<vmem>> -> memref<32x768xf32, #tpu.memory_space<vmem>>
    %dma_start3A_17 = arith.constant 32 : i32
    %dma_start3A_18 = tpu.memref_slice %arg5[%dma_start3A_17] : memref<256xi32, #tpu.memory_space<vmem>> -> memref<32xi32, #tpu.memory_space<vmem>>
    %dma_start3A_19 = arith.constant 0 : i32
    %dma_start3A_20 = arith.constant 0 : i32
    %dma_start3A_21 = tpu.memref_slice %arg3[%dma_start3A_19, %dma_start3A_20] : memref<100000x768xf32, #tpu.memory_space<hbm>> -> memref<100000x768xf32, #tpu.memory_space<hbm>>
    tpu.enqueue_indirect_dma source(%dma_start3A_21 : memref<100000x768xf32, #tpu.memory_space<hbm>>) target(%dma_start3A_16 : memref<32x768xf32, #tpu.memory_space<vmem>>) offsets(%dma_start3A_18 : memref<32xi32, #tpu.memory_space<vmem>>) semaphore(%arg8 : memref<!tpu.dma_semaphore, #tpu.memory_space<semaphore_mem>>)
    %dma_start3A_22 = arith.constant 2 : i32
    %dma_start3A_23 = arith.constant 0 : i32
    %dma_start3A_24 = arith.constant 0 : i32
    %dma_start3A_25 = tpu.memref_slice %arg6[%dma_start3A_22, %dma_start3A_23, %dma_start3A_24] : memref<4x32x768xf32, #tpu.memory_space<vmem>> -> memref<1x32x768xf32, #tpu.memory_space<vmem>>
    %dma_start3A_26 = tpu.memref_squeeze %dma_start3A_25 : memref<1x32x768xf32, #tpu.memory_space<vmem>> -> memref<32x768xf32, #tpu.memory_space<vmem>>
    %dma_start3A_27 = arith.constant 64 : i32
    %dma_start3A_28 = tpu.memref_slice %arg5[%dma_start3A_27] : memref<256xi32, #tpu.memory_space<vmem>> -> memref<32xi32, #tpu.memory_space<vmem>>
    %dma_start3A_29 = arith.constant 0 : i32
    %dma_start3A_30 = arith.constant 0 : i32
    %dma_start3A_31 = tpu.memref_slice %arg3[%dma_start3A_29, %dma_start3A_30] : memref<100000x768xf32, #tpu.memory_space<hbm>> -> memref<100000x768xf32, #tpu.memory_space<hbm>>
    tpu.enqueue_indirect_dma source(%dma_start3A_31 : memref<100000x768xf32, #tpu.memory_space<hbm>>) target(%dma_start3A_26 : memref<32x768xf32, #tpu.memory_space<vmem>>) offsets(%dma_start3A_28 : memref<32xi32, #tpu.memory_space<vmem>>) semaphore(%arg9 : memref<!tpu.dma_semaphore, #tpu.memory_space<semaphore_mem>>)
    %dma_start3A_32 = arith.constant 3 : i32
    %dma_start3A_33 = arith.constant 0 : i32
    %dma_start3A_34 = arith.constant 0 : i32
    %dma_start3A_35 = tpu.memref_slice %arg6[%dma_start3A_32, %dma_start3A_33, %dma_start3A_34] : memref<4x32x768xf32, #tpu.memory_space<vmem>> -> memref<1x32x768xf32, #tpu.memory_space<vmem>>
    %dma_start3A_36 = tpu.memref_squeeze %dma_start3A_35 : memref<1x32x768xf32, #tpu.memory_space<vmem>> -> memref<32x768xf32, #tpu.memory_space<vmem>>
    %dma_start3A_37 = arith.constant 96 : i32
    %dma_start3A_38 = tpu.memref_slice %arg5[%dma_start3A_37] : memref<256xi32, #tpu.memory_space<vmem>> -> memref<32xi32, #tpu.memory_space<vmem>>
    %dma_start3A_39 = arith.constant 0 : i32
    %dma_start3A_40 = arith.constant 0 : i32
    %dma_start3A_41 = tpu.memref_slice %arg3[%dma_start3A_39, %dma_start3A_40] : memref<100000x768xf32, #tpu.memory_space<hbm>> -> memref<100000x768xf32, #tpu.memory_space<hbm>>
    tpu.enqueue_indirect_dma source(%dma_start3A_41 : memref<100000x768xf32, #tpu.memory_space<hbm>>) target(%dma_start3A_36 : memref<32x768xf32, #tpu.memory_space<vmem>>) offsets(%dma_start3A_38 : memref<32xi32, #tpu.memory_space<vmem>>) semaphore(%arg10 : memref<!tpu.dma_semaphore, #tpu.memory_space<semaphore_mem>>)
    %dma_wait3A = arith.constant 0 : i32
    %dma_wait3A_42 = arith.constant 0 : i32
    %dma_wait3A_43 = arith.constant 0 : i32
    %dma_wait3A_44 = tpu.memref_slice %arg6[%dma_wait3A, %dma_wait3A_42, %dma_wait3A_43] : memref<4x32x768xf32, #tpu.memory_space<vmem>> -> memref<1x32x768xf32, #tpu.memory_space<vmem>>
    %dma_wait3A_45 = tpu.memref_squeeze %dma_wait3A_44 : memref<1x32x768xf32, #tpu.memory_space<vmem>> -> memref<32x768xf32, #tpu.memory_space<vmem>>
    %dma_wait3A_46 = arith.constant 0 : i32
    %dma_wait3A_47 = tpu.memref_slice %arg5[%dma_wait3A_46] : memref<256xi32, #tpu.memory_space<vmem>> -> memref<32xi32, #tpu.memory_space<vmem>>
    %dma_wait3A_48 = arith.constant 0 : i32
    %dma_wait3A_49 = arith.constant 0 : i32
    %dma_wait3A_50 = tpu.memref_slice %arg3[%dma_wait3A_48, %dma_wait3A_49] : memref<100000x768xf32, #tpu.memory_space<hbm>> -> memref<100000x768xf32, #tpu.memory_space<hbm>>
    tpu.wait_indirect_dma semaphore(%arg7 : memref<!tpu.dma_semaphore, #tpu.memory_space<semaphore_mem>>) src(%dma_wait3A_50 : memref<100000x768xf32, #tpu.memory_space<hbm>>) dst(%dma_wait3A_45 : memref<32x768xf32, #tpu.memory_space<vmem>>)
    %add3A_51 = arith.constant 0 : i32
    %add3A_52 = arith.addi %mul3A_2, %add3A_51 : i32
    %run_scoped3A = arith.constant 0 : i32
    "tpu.region"() ({
      %run_scoped3A_184 = tpu.sem_alloc : memref<!tpu.dma_semaphore, #tpu.memory_space<semaphore_mem>>
      %dma_start3A_185 = arith.constant 0 : i32
      %dma_start3A_186 = arith.constant 0 : i32
      %dma_start3A_187 = tpu.memref_slice %arg6[%run_scoped3A, %dma_start3A_185, %dma_start3A_186] : memref<4x32x768xf32, #tpu.memory_space<vmem>> -> memref<1x32x768xf32, #tpu.memory_space<vmem>>
      %dma_start3A_188 = tpu.memref_squeeze %dma_start3A_187 : memref<1x32x768xf32, #tpu.memory_space<vmem>> -> memref<32x768xf32, #tpu.memory_space<vmem>>
      %dma_start3A_189 = arith.constant 0 : i32
      %dma_start3A_190 = tpu.memref_slice %arg4[%add3A_52, %dma_start3A_189] : memref<8192x768xf32, #tpu.memory_space<hbm>> -> memref<32x768xf32, #tpu.memory_space<hbm>>
      %dma_start3A_191 = arith.constant 0 : i32
      %dma_start3A_192 = tpu.memref_slice %arg4[%add3A_52, %dma_start3A_191] : memref<8192x768xf32, #tpu.memory_space<hbm>> -> memref<32x768xf32, #tpu.memory_space<hbm>>
      %dma_start3A_193 = arith.constant 0 : i32
      %dma_start3A_194 = arith.constant 0 : i32
      %dma_start3A_195 = tpu.memref_slice %arg6[%run_scoped3A, %dma_start3A_193, %dma_start3A_194] : memref<4x32x768xf32, #tpu.memory_space<vmem>> -> memref<1x32x768xf32, #tpu.memory_space<vmem>>
      %dma_start3A_196 = tpu.memref_squeeze %dma_start3A_195 : memref<1x32x768xf32, #tpu.memory_space<vmem>> -> memref<32x768xf32, #tpu.memory_space<vmem>>
      tpu.enqueue_dma source(%dma_start3A_196 : memref<32x768xf32, #tpu.memory_space<vmem>>) target(%dma_start3A_192 : memref<32x768xf32, #tpu.memory_space<hbm>>) target_semaphore(%run_scoped3A_184 : memref<!tpu.dma_semaphore, #tpu.memory_space<semaphore_mem>>)
      %dma_wait3A_197 = arith.constant 0 : i32
      %dma_wait3A_198 = arith.constant 0 : i32
      %dma_wait3A_199 = tpu.memref_slice %arg6[%run_scoped3A, %dma_wait3A_197, %dma_wait3A_198] : memref<4x32x768xf32, #tpu.memory_space<vmem>> -> memref<1x32x768xf32, #tpu.memory_space<vmem>>
      %dma_wait3A_200 = tpu.memref_squeeze %dma_wait3A_199 : memref<1x32x768xf32, #tpu.memory_space<vmem>> -> memref<32x768xf32, #tpu.memory_space<vmem>>
      %dma_wait3A_201 = arith.constant 0 : i32
      %dma_wait3A_202 = tpu.memref_slice %arg4[%add3A_52, %dma_wait3A_201] : memref<8192x768xf32, #tpu.memory_space<hbm>> -> memref<32x768xf32, #tpu.memory_space<hbm>>
      %dma_wait3A_203 = arith.constant 0 : i32
      %dma_wait3A_204 = tpu.memref_slice %arg4[%add3A_52, %dma_wait3A_203] : memref<8192x768xf32, #tpu.memory_space<hbm>> -> memref<32x768xf32, #tpu.memory_space<hbm>>
      %dma_wait3A_205 = arith.constant 0 : i32
      %dma_wait3A_206 = arith.constant 0 : i32
      %dma_wait3A_207 = tpu.memref_slice %arg6[%run_scoped3A, %dma_wait3A_205, %dma_wait3A_206] : memref<4x32x768xf32, #tpu.memory_space<vmem>> -> memref<1x32x768xf32, #tpu.memory_space<vmem>>
      %dma_wait3A_208 = tpu.memref_squeeze %dma_wait3A_207 : memref<1x32x768xf32, #tpu.memory_space<vmem>> -> memref<32x768xf32, #tpu.memory_space<vmem>>
      tpu.wait_dma2 semaphore(%run_scoped3A_184 : memref<!tpu.dma_semaphore, #tpu.memory_space<semaphore_mem>>) src(%dma_wait3A_208 : memref<32x768xf32, #tpu.memory_space<vmem>>) dst(%dma_wait3A_204 : memref<32x768xf32, #tpu.memory_space<hbm>>)
      tpu.yield
    }) : () -> ()
    %dma_start3A_53 = arith.constant 0 : i32
    %dma_start3A_54 = arith.constant 0 : i32
    %dma_start3A_55 = arith.constant 0 : i32
    %dma_start3A_56 = tpu.memref_slice %arg6[%dma_start3A_53, %dma_start3A_54, %dma_start3A_55] : memref<4x32x768xf32, #tpu.memory_space<vmem>> -> memref<1x32x768xf32, #tpu.memory_space<vmem>>
    %dma_start3A_57 = tpu.memref_squeeze %dma_start3A_56 : memref<1x32x768xf32, #tpu.memory_space<vmem>> -> memref<32x768xf32, #tpu.memory_space<vmem>>
    %dma_start3A_58 = arith.constant 128 : i32
    %dma_start3A_59 = tpu.memref_slice %arg5[%dma_start3A_58] : memref<256xi32, #tpu.memory_space<vmem>> -> memref<32xi32, #tpu.memory_space<vmem>>
    %dma_start3A_60 = arith.constant 0 : i32
    %dma_start3A_61 = arith.constant 0 : i32
    %dma_start3A_62 = tpu.memref_slice %arg3[%dma_start3A_60, %dma_start3A_61] : memref<100000x768xf32, #tpu.memory_space<hbm>> -> memref<100000x768xf32, #tpu.memory_space<hbm>>
    tpu.enqueue_indirect_dma source(%dma_start3A_62 : memref<100000x768xf32, #tpu.memory_space<hbm>>) target(%dma_start3A_57 : memref<32x768xf32, #tpu.memory_space<vmem>>) offsets(%dma_start3A_59 : memref<32xi32, #tpu.memory_space<vmem>>) semaphore(%arg7 : memref<!tpu.dma_semaphore, #tpu.memory_space<semaphore_mem>>)
    %dma_wait3A_63 = arith.constant 1 : i32
    %dma_wait3A_64 = arith.constant 0 : i32
    %dma_wait3A_65 = arith.constant 0 : i32
    %dma_wait3A_66 = tpu.memref_slice %arg6[%dma_wait3A_63, %dma_wait3A_64, %dma_wait3A_65] : memref<4x32x768xf32, #tpu.memory_space<vmem>> -> memref<1x32x768xf32, #tpu.memory_space<vmem>>
    %dma_wait3A_67 = tpu.memref_squeeze %dma_wait3A_66 : memref<1x32x768xf32, #tpu.memory_space<vmem>> -> memref<32x768xf32, #tpu.memory_space<vmem>>
    %dma_wait3A_68 = arith.constant 32 : i32
    %dma_wait3A_69 = tpu.memref_slice %arg5[%dma_wait3A_68] : memref<256xi32, #tpu.memory_space<vmem>> -> memref<32xi32, #tpu.memory_space<vmem>>
    %dma_wait3A_70 = arith.constant 0 : i32
    %dma_wait3A_71 = arith.constant 0 : i32
    %dma_wait3A_72 = tpu.memref_slice %arg3[%dma_wait3A_70, %dma_wait3A_71] : memref<100000x768xf32, #tpu.memory_space<hbm>> -> memref<100000x768xf32, #tpu.memory_space<hbm>>
    tpu.wait_indirect_dma semaphore(%arg8 : memref<!tpu.dma_semaphore, #tpu.memory_space<semaphore_mem>>) src(%dma_wait3A_72 : memref<100000x768xf32, #tpu.memory_space<hbm>>) dst(%dma_wait3A_67 : memref<32x768xf32, #tpu.memory_space<vmem>>)
    %add3A_73 = arith.constant 32 : i32
    %add3A_74 = arith.addi %mul3A_2, %add3A_73 : i32
    %run_scoped3A_75 = arith.constant 1 : i32
    "tpu.region"() ({
      %run_scoped3A_184 = tpu.sem_alloc : memref<!tpu.dma_semaphore, #tpu.memory_space<semaphore_mem>>
      %dma_start3A_185 = arith.constant 0 : i32
      %dma_start3A_186 = arith.constant 0 : i32
      %dma_start3A_187 = tpu.memref_slice %arg6[%run_scoped3A_75, %dma_start3A_185, %dma_start3A_186] : memref<4x32x768xf32, #tpu.memory_space<vmem>> -> memref<1x32x768xf32, #tpu.memory_space<vmem>>
      %dma_start3A_188 = tpu.memref_squeeze %dma_start3A_187 : memref<1x32x768xf32, #tpu.memory_space<vmem>> -> memref<32x768xf32, #tpu.memory_space<vmem>>
      %dma_start3A_189 = arith.constant 0 : i32
      %dma_start3A_190 = tpu.memref_slice %arg4[%add3A_74, %dma_start3A_189] : memref<8192x768xf32, #tpu.memory_space<hbm>> -> memref<32x768xf32, #tpu.memory_space<hbm>>
      %dma_start3A_191 = arith.constant 0 : i32
      %dma_start3A_192 = tpu.memref_slice %arg4[%add3A_74, %dma_start3A_191] : memref<8192x768xf32, #tpu.memory_space<hbm>> -> memref<32x768xf32, #tpu.memory_space<hbm>>
      %dma_start3A_193 = arith.constant 0 : i32
      %dma_start3A_194 = arith.constant 0 : i32
      %dma_start3A_195 = tpu.memref_slice %arg6[%run_scoped3A_75, %dma_start3A_193, %dma_start3A_194] : memref<4x32x768xf32, #tpu.memory_space<vmem>> -> memref<1x32x768xf32, #tpu.memory_space<vmem>>
      %dma_start3A_196 = tpu.memref_squeeze %dma_start3A_195 : memref<1x32x768xf32, #tpu.memory_space<vmem>> -> memref<32x768xf32, #tpu.memory_space<vmem>>
      tpu.enqueue_dma source(%dma_start3A_196 : memref<32x768xf32, #tpu.memory_space<vmem>>) target(%dma_start3A_192 : memref<32x768xf32, #tpu.memory_space<hbm>>) target_semaphore(%run_scoped3A_184 : memref<!tpu.dma_semaphore, #tpu.memory_space<semaphore_mem>>)
      %dma_wait3A_197 = arith.constant 0 : i32
      %dma_wait3A_198 = arith.constant 0 : i32
      %dma_wait3A_199 = tpu.memref_slice %arg6[%run_scoped3A_75, %dma_wait3A_197, %dma_wait3A_198] : memref<4x32x768xf32, #tpu.memory_space<vmem>> -> memref<1x32x768xf32, #tpu.memory_space<vmem>>
      %dma_wait3A_200 = tpu.memref_squeeze %dma_wait3A_199 : memref<1x32x768xf32, #tpu.memory_space<vmem>> -> memref<32x768xf32, #tpu.memory_space<vmem>>
      %dma_wait3A_201 = arith.constant 0 : i32
      %dma_wait3A_202 = tpu.memref_slice %arg4[%add3A_74, %dma_wait3A_201] : memref<8192x768xf32, #tpu.memory_space<hbm>> -> memref<32x768xf32, #tpu.memory_space<hbm>>
      %dma_wait3A_203 = arith.constant 0 : i32
      %dma_wait3A_204 = tpu.memref_slice %arg4[%add3A_74, %dma_wait3A_203] : memref<8192x768xf32, #tpu.memory_space<hbm>> -> memref<32x768xf32, #tpu.memory_space<hbm>>
      %dma_wait3A_205 = arith.constant 0 : i32
      %dma_wait3A_206 = arith.constant 0 : i32
      %dma_wait3A_207 = tpu.memref_slice %arg6[%run_scoped3A_75, %dma_wait3A_205, %dma_wait3A_206] : memref<4x32x768xf32, #tpu.memory_space<vmem>> -> memref<1x32x768xf32, #tpu.memory_space<vmem>>
      %dma_wait3A_208 = tpu.memref_squeeze %dma_wait3A_207 : memref<1x32x768xf32, #tpu.memory_space<vmem>> -> memref<32x768xf32, #tpu.memory_space<vmem>>
      tpu.wait_dma2 semaphore(%run_scoped3A_184 : memref<!tpu.dma_semaphore, #tpu.memory_space<semaphore_mem>>) src(%dma_wait3A_208 : memref<32x768xf32, #tpu.memory_space<vmem>>) dst(%dma_wait3A_204 : memref<32x768xf32, #tpu.memory_space<hbm>>)
      tpu.yield
    }) : () -> ()
    %dma_start3A_76 = arith.constant 1 : i32
    %dma_start3A_77 = arith.constant 0 : i32
    %dma_start3A_78 = arith.constant 0 : i32
    %dma_start3A_79 = tpu.memref_slice %arg6[%dma_start3A_76, %dma_start3A_77, %dma_start3A_78] : memref<4x32x768xf32, #tpu.memory_space<vmem>> -> memref<1x32x768xf32, #tpu.memory_space<vmem>>
    %dma_start3A_80 = tpu.memref_squeeze %dma_start3A_79 : memref<1x32x768xf32, #tpu.memory_space<vmem>> -> memref<32x768xf32, #tpu.memory_space<vmem>>
    %dma_start3A_81 = arith.constant 160 : i32
    %dma_start3A_82 = tpu.memref_slice %arg5[%dma_start3A_81] : memref<256xi32, #tpu.memory_space<vmem>> -> memref<32xi32, #tpu.memory_space<vmem>>
    %dma_start3A_83 = arith.constant 0 : i32
    %dma_start3A_84 = arith.constant 0 : i32
    %dma_start3A_85 = tpu.memref_slice %arg3[%dma_start3A_83, %dma_start3A_84] : memref<100000x768xf32, #tpu.memory_space<hbm>> -> memref<100000x768xf32, #tpu.memory_space<hbm>>
    tpu.enqueue_indirect_dma source(%dma_start3A_85 : memref<100000x768xf32, #tpu.memory_space<hbm>>) target(%dma_start3A_80 : memref<32x768xf32, #tpu.memory_space<vmem>>) offsets(%dma_start3A_82 : memref<32xi32, #tpu.memory_space<vmem>>) semaphore(%arg8 : memref<!tpu.dma_semaphore, #tpu.memory_space<semaphore_mem>>)
    %dma_wait3A_86 = arith.constant 2 : i32
    %dma_wait3A_87 = arith.constant 0 : i32
    %dma_wait3A_88 = arith.constant 0 : i32
    %dma_wait3A_89 = tpu.memref_slice %arg6[%dma_wait3A_86, %dma_wait3A_87, %dma_wait3A_88] : memref<4x32x768xf32, #tpu.memory_space<vmem>> -> memref<1x32x768xf32, #tpu.memory_space<vmem>>
    %dma_wait3A_90 = tpu.memref_squeeze %dma_wait3A_89 : memref<1x32x768xf32, #tpu.memory_space<vmem>> -> memref<32x768xf32, #tpu.memory_space<vmem>>
    %dma_wait3A_91 = arith.constant 64 : i32
    %dma_wait3A_92 = tpu.memref_slice %arg5[%dma_wait3A_91] : memref<256xi32, #tpu.memory_space<vmem>> -> memref<32xi32, #tpu.memory_space<vmem>>
    %dma_wait3A_93 = arith.constant 0 : i32
    %dma_wait3A_94 = arith.constant 0 : i32
    %dma_wait3A_95 = tpu.memref_slice %arg3[%dma_wait3A_93, %dma_wait3A_94] : memref<100000x768xf32, #tpu.memory_space<hbm>> -> memref<100000x768xf32, #tpu.memory_space<hbm>>
    tpu.wait_indirect_dma semaphore(%arg9 : memref<!tpu.dma_semaphore, #tpu.memory_space<semaphore_mem>>) src(%dma_wait3A_95 : memref<100000x768xf32, #tpu.memory_space<hbm>>) dst(%dma_wait3A_90 : memref<32x768xf32, #tpu.memory_space<vmem>>)
    %add3A_96 = arith.constant 64 : i32
    %add3A_97 = arith.addi %mul3A_2, %add3A_96 : i32
    %run_scoped3A_98 = arith.constant 2 : i32
    "tpu.region"() ({
      %run_scoped3A_184 = tpu.sem_alloc : memref<!tpu.dma_semaphore, #tpu.memory_space<semaphore_mem>>
      %dma_start3A_185 = arith.constant 0 : i32
      %dma_start3A_186 = arith.constant 0 : i32
      %dma_start3A_187 = tpu.memref_slice %arg6[%run_scoped3A_98, %dma_start3A_185, %dma_start3A_186] : memref<4x32x768xf32, #tpu.memory_space<vmem>> -> memref<1x32x768xf32, #tpu.memory_space<vmem>>
      %dma_start3A_188 = tpu.memref_squeeze %dma_start3A_187 : memref<1x32x768xf32, #tpu.memory_space<vmem>> -> memref<32x768xf32, #tpu.memory_space<vmem>>
      %dma_start3A_189 = arith.constant 0 : i32
      %dma_start3A_190 = tpu.memref_slice %arg4[%add3A_97, %dma_start3A_189] : memref<8192x768xf32, #tpu.memory_space<hbm>> -> memref<32x768xf32, #tpu.memory_space<hbm>>
      %dma_start3A_191 = arith.constant 0 : i32
      %dma_start3A_192 = tpu.memref_slice %arg4[%add3A_97, %dma_start3A_191] : memref<8192x768xf32, #tpu.memory_space<hbm>> -> memref<32x768xf32, #tpu.memory_space<hbm>>
      %dma_start3A_193 = arith.constant 0 : i32
      %dma_start3A_194 = arith.constant 0 : i32
      %dma_start3A_195 = tpu.memref_slice %arg6[%run_scoped3A_98, %dma_start3A_193, %dma_start3A_194] : memref<4x32x768xf32, #tpu.memory_space<vmem>> -> memref<1x32x768xf32, #tpu.memory_space<vmem>>
      %dma_start3A_196 = tpu.memref_squeeze %dma_start3A_195 : memref<1x32x768xf32, #tpu.memory_space<vmem>> -> memref<32x768xf32, #tpu.memory_space<vmem>>
      tpu.enqueue_dma source(%dma_start3A_196 : memref<32x768xf32, #tpu.memory_space<vmem>>) target(%dma_start3A_192 : memref<32x768xf32, #tpu.memory_space<hbm>>) target_semaphore(%run_scoped3A_184 : memref<!tpu.dma_semaphore, #tpu.memory_space<semaphore_mem>>)
      %dma_wait3A_197 = arith.constant 0 : i32
      %dma_wait3A_198 = arith.constant 0 : i32
      %dma_wait3A_199 = tpu.memref_slice %arg6[%run_scoped3A_98, %dma_wait3A_197, %dma_wait3A_198] : memref<4x32x768xf32, #tpu.memory_space<vmem>> -> memref<1x32x768xf32, #tpu.memory_space<vmem>>
      %dma_wait3A_200 = tpu.memref_squeeze %dma_wait3A_199 : memref<1x32x768xf32, #tpu.memory_space<vmem>> -> memref<32x768xf32, #tpu.memory_space<vmem>>
      %dma_wait3A_201 = arith.constant 0 : i32
      %dma_wait3A_202 = tpu.memref_slice %arg4[%add3A_97, %dma_wait3A_201] : memref<8192x768xf32, #tpu.memory_space<hbm>> -> memref<32x768xf32, #tpu.memory_space<hbm>>
      %dma_wait3A_203 = arith.constant 0 : i32
      %dma_wait3A_204 = tpu.memref_slice %arg4[%add3A_97, %dma_wait3A_203] : memref<8192x768xf32, #tpu.memory_space<hbm>> -> memref<32x768xf32, #tpu.memory_space<hbm>>
      %dma_wait3A_205 = arith.constant 0 : i32
      %dma_wait3A_206 = arith.constant 0 : i32
      %dma_wait3A_207 = tpu.memref_slice %arg6[%run_scoped3A_98, %dma_wait3A_205, %dma_wait3A_206] : memref<4x32x768xf32, #tpu.memory_space<vmem>> -> memref<1x32x768xf32, #tpu.memory_space<vmem>>
      %dma_wait3A_208 = tpu.memref_squeeze %dma_wait3A_207 : memref<1x32x768xf32, #tpu.memory_space<vmem>> -> memref<32x768xf32, #tpu.memory_space<vmem>>
      tpu.wait_dma2 semaphore(%run_scoped3A_184 : memref<!tpu.dma_semaphore, #tpu.memory_space<semaphore_mem>>) src(%dma_wait3A_208 : memref<32x768xf32, #tpu.memory_space<vmem>>) dst(%dma_wait3A_204 : memref<32x768xf32, #tpu.memory_space<hbm>>)
      tpu.yield
    }) : () -> ()
    %dma_start3A_99 = arith.constant 2 : i32
    %dma_start3A_100 = arith.constant 0 : i32
    %dma_start3A_101 = arith.constant 0 : i32
    %dma_start3A_102 = tpu.memref_slice %arg6[%dma_start3A_99, %dma_start3A_100, %dma_start3A_101] : memref<4x32x768xf32, #tpu.memory_space<vmem>> -> memref<1x32x768xf32, #tpu.memory_space<vmem>>
    %dma_start3A_103 = tpu.memref_squeeze %dma_start3A_102 : memref<1x32x768xf32, #tpu.memory_space<vmem>> -> memref<32x768xf32, #tpu.memory_space<vmem>>
    %dma_start3A_104 = arith.constant 192 : i32
    %dma_start3A_105 = tpu.memref_slice %arg5[%dma_start3A_104] : memref<256xi32, #tpu.memory_space<vmem>> -> memref<32xi32, #tpu.memory_space<vmem>>
    %dma_start3A_106 = arith.constant 0 : i32
    %dma_start3A_107 = arith.constant 0 : i32
    %dma_start3A_108 = tpu.memref_slice %arg3[%dma_start3A_106, %dma_start3A_107] : memref<100000x768xf32, #tpu.memory_space<hbm>> -> memref<100000x768xf32, #tpu.memory_space<hbm>>
    tpu.enqueue_indirect_dma source(%dma_start3A_108 : memref<100000x768xf32, #tpu.memory_space<hbm>>) target(%dma_start3A_103 : memref<32x768xf32, #tpu.memory_space<vmem>>) offsets(%dma_start3A_105 : memref<32xi32, #tpu.memory_space<vmem>>) semaphore(%arg9 : memref<!tpu.dma_semaphore, #tpu.memory_space<semaphore_mem>>)
    %dma_wait3A_109 = arith.constant 3 : i32
    %dma_wait3A_110 = arith.constant 0 : i32
    %dma_wait3A_111 = arith.constant 0 : i32
    %dma_wait3A_112 = tpu.memref_slice %arg6[%dma_wait3A_109, %dma_wait3A_110, %dma_wait3A_111] : memref<4x32x768xf32, #tpu.memory_space<vmem>> -> memref<1x32x768xf32, #tpu.memory_space<vmem>>
    %dma_wait3A_113 = tpu.memref_squeeze %dma_wait3A_112 : memref<1x32x768xf32, #tpu.memory_space<vmem>> -> memref<32x768xf32, #tpu.memory_space<vmem>>
    %dma_wait3A_114 = arith.constant 96 : i32
    %dma_wait3A_115 = tpu.memref_slice %arg5[%dma_wait3A_114] : memref<256xi32, #tpu.memory_space<vmem>> -> memref<32xi32, #tpu.memory_space<vmem>>
    %dma_wait3A_116 = arith.constant 0 : i32
    %dma_wait3A_117 = arith.constant 0 : i32
    %dma_wait3A_118 = tpu.memref_slice %arg3[%dma_wait3A_116, %dma_wait3A_117] : memref<100000x768xf32, #tpu.memory_space<hbm>> -> memref<100000x768xf32, #tpu.memory_space<hbm>>
    tpu.wait_indirect_dma semaphore(%arg10 : memref<!tpu.dma_semaphore, #tpu.memory_space<semaphore_mem>>) src(%dma_wait3A_118 : memref<100000x768xf32, #tpu.memory_space<hbm>>) dst(%dma_wait3A_113 : memref<32x768xf32, #tpu.memory_space<vmem>>)
    %add3A_119 = arith.constant 96 : i32
    %add3A_120 = arith.addi %mul3A_2, %add3A_119 : i32
    %run_scoped3A_121 = arith.constant 3 : i32
    "tpu.region"() ({
      %run_scoped3A_184 = tpu.sem_alloc : memref<!tpu.dma_semaphore, #tpu.memory_space<semaphore_mem>>
      %dma_start3A_185 = arith.constant 0 : i32
      %dma_start3A_186 = arith.constant 0 : i32
      %dma_start3A_187 = tpu.memref_slice %arg6[%run_scoped3A_121, %dma_start3A_185, %dma_start3A_186] : memref<4x32x768xf32, #tpu.memory_space<vmem>> -> memref<1x32x768xf32, #tpu.memory_space<vmem>>
      %dma_start3A_188 = tpu.memref_squeeze %dma_start3A_187 : memref<1x32x768xf32, #tpu.memory_space<vmem>> -> memref<32x768xf32, #tpu.memory_space<vmem>>
      %dma_start3A_189 = arith.constant 0 : i32
      %dma_start3A_190 = tpu.memref_slice %arg4[%add3A_120, %dma_start3A_189] : memref<8192x768xf32, #tpu.memory_space<hbm>> -> memref<32x768xf32, #tpu.memory_space<hbm>>
      %dma_start3A_191 = arith.constant 0 : i32
      %dma_start3A_192 = tpu.memref_slice %arg4[%add3A_120, %dma_start3A_191] : memref<8192x768xf32, #tpu.memory_space<hbm>> -> memref<32x768xf32, #tpu.memory_space<hbm>>
      %dma_start3A_193 = arith.constant 0 : i32
      %dma_start3A_194 = arith.constant 0 : i32
      %dma_start3A_195 = tpu.memref_slice %arg6[%run_scoped3A_121, %dma_start3A_193, %dma_start3A_194] : memref<4x32x768xf32, #tpu.memory_space<vmem>> -> memref<1x32x768xf32, #tpu.memory_space<vmem>>
      %dma_start3A_196 = tpu.memref_squeeze %dma_start3A_195 : memref<1x32x768xf32, #tpu.memory_space<vmem>> -> memref<32x768xf32, #tpu.memory_space<vmem>>
      tpu.enqueue_dma source(%dma_start3A_196 : memref<32x768xf32, #tpu.memory_space<vmem>>) target(%dma_start3A_192 : memref<32x768xf32, #tpu.memory_space<hbm>>) target_semaphore(%run_scoped3A_184 : memref<!tpu.dma_semaphore, #tpu.memory_space<semaphore_mem>>)
      %dma_wait3A_197 = arith.constant 0 : i32
      %dma_wait3A_198 = arith.constant 0 : i32
      %dma_wait3A_199 = tpu.memref_slice %arg6[%run_scoped3A_121, %dma_wait3A_197, %dma_wait3A_198] : memref<4x32x768xf32, #tpu.memory_space<vmem>> -> memref<1x32x768xf32, #tpu.memory_space<vmem>>
      %dma_wait3A_200 = tpu.memref_squeeze %dma_wait3A_199 : memref<1x32x768xf32, #tpu.memory_space<vmem>> -> memref<32x768xf32, #tpu.memory_space<vmem>>
      %dma_wait3A_201 = arith.constant 0 : i32
      %dma_wait3A_202 = tpu.memref_slice %arg4[%add3A_120, %dma_wait3A_201] : memref<8192x768xf32, #tpu.memory_space<hbm>> -> memref<32x768xf32, #tpu.memory_space<hbm>>
      %dma_wait3A_203 = arith.constant 0 : i32
      %dma_wait3A_204 = tpu.memref_slice %arg4[%add3A_120, %dma_wait3A_203] : memref<8192x768xf32, #tpu.memory_space<hbm>> -> memref<32x768xf32, #tpu.memory_space<hbm>>
      %dma_wait3A_205 = arith.constant 0 : i32
      %dma_wait3A_206 = arith.constant 0 : i32
      %dma_wait3A_207 = tpu.memref_slice %arg6[%run_scoped3A_121, %dma_wait3A_205, %dma_wait3A_206] : memref<4x32x768xf32, #tpu.memory_space<vmem>> -> memref<1x32x768xf32, #tpu.memory_space<vmem>>
      %dma_wait3A_208 = tpu.memref_squeeze %dma_wait3A_207 : memref<1x32x768xf32, #tpu.memory_space<vmem>> -> memref<32x768xf32, #tpu.memory_space<vmem>>
      tpu.wait_dma2 semaphore(%run_scoped3A_184 : memref<!tpu.dma_semaphore, #tpu.memory_space<semaphore_mem>>) src(%dma_wait3A_208 : memref<32x768xf32, #tpu.memory_space<vmem>>) dst(%dma_wait3A_204 : memref<32x768xf32, #tpu.memory_space<hbm>>)
      tpu.yield
    }) : () -> ()
    %dma_start3A_122 = arith.constant 3 : i32
    %dma_start3A_123 = arith.constant 0 : i32
    %dma_start3A_124 = arith.constant 0 : i32
    %dma_start3A_125 = tpu.memref_slice %arg6[%dma_start3A_122, %dma_start3A_123, %dma_start3A_124] : memref<4x32x768xf32, #tpu.memory_space<vmem>> -> memref<1x32x768xf32, #tpu.memory_space<vmem>>
    %dma_start3A_126 = tpu.memref_squeeze %dma_start3A_125 : memref<1x32x768xf32, #tpu.memory_space<vmem>> -> memref<32x768xf32, #tpu.memory_space<vmem>>
    %dma_start3A_127 = arith.constant 224 : i32
    %dma_start3A_128 = tpu.memref_slice %arg5[%dma_start3A_127] : memref<256xi32, #tpu.memory_space<vmem>> -> memref<32xi32, #tpu.memory_space<vmem>>
    %dma_start3A_129 = arith.constant 0 : i32
    %dma_start3A_130 = arith.constant 0 : i32
    %dma_start3A_131 = tpu.memref_slice %arg3[%dma_start3A_129, %dma_start3A_130] : memref<100000x768xf32, #tpu.memory_space<hbm>> -> memref<100000x768xf32, #tpu.memory_space<hbm>>
    tpu.enqueue_indirect_dma source(%dma_start3A_131 : memref<100000x768xf32, #tpu.memory_space<hbm>>) target(%dma_start3A_126 : memref<32x768xf32, #tpu.memory_space<vmem>>) offsets(%dma_start3A_128 : memref<32xi32, #tpu.memory_space<vmem>>) semaphore(%arg10 : memref<!tpu.dma_semaphore, #tpu.memory_space<semaphore_mem>>)
    %dma_wait3A_132 = arith.constant 0 : i32
    %dma_wait3A_133 = arith.constant 0 : i32
    %dma_wait3A_134 = arith.constant 0 : i32
    %dma_wait3A_135 = tpu.memref_slice %arg6[%dma_wait3A_132, %dma_wait3A_133, %dma_wait3A_134] : memref<4x32x768xf32, #tpu.memory_space<vmem>> -> memref<1x32x768xf32, #tpu.memory_space<vmem>>
    %dma_wait3A_136 = tpu.memref_squeeze %dma_wait3A_135 : memref<1x32x768xf32, #tpu.memory_space<vmem>> -> memref<32x768xf32, #tpu.memory_space<vmem>>
    %dma_wait3A_137 = arith.constant 128 : i32
    %dma_wait3A_138 = tpu.memref_slice %arg5[%dma_wait3A_137] : memref<256xi32, #tpu.memory_space<vmem>> -> memref<32xi32, #tpu.memory_space<vmem>>
    %dma_wait3A_139 = arith.constant 0 : i32
    %dma_wait3A_140 = arith.constant 0 : i32
    %dma_wait3A_141 = tpu.memref_slice %arg3[%dma_wait3A_139, %dma_wait3A_140] : memref<100000x768xf32, #tpu.memory_space<hbm>> -> memref<100000x768xf32, #tpu.memory_space<hbm>>
    tpu.wait_indirect_dma semaphore(%arg7 : memref<!tpu.dma_semaphore, #tpu.memory_space<semaphore_mem>>) src(%dma_wait3A_141 : memref<100000x768xf32, #tpu.memory_space<hbm>>) dst(%dma_wait3A_136 : memref<32x768xf32, #tpu.memory_space<vmem>>)
    %add3A_142 = arith.constant 128 : i32
    %add3A_143 = arith.addi %mul3A_2, %add3A_142 : i32
    %run_scoped3A_144 = arith.constant 0 : i32
    "tpu.region"() ({
      %run_scoped3A_184 = tpu.sem_alloc : memref<!tpu.dma_semaphore, #tpu.memory_space<semaphore_mem>>
      %dma_start3A_185 = arith.constant 0 : i32
      %dma_start3A_186 = arith.constant 0 : i32
      %dma_start3A_187 = tpu.memref_slice %arg6[%run_scoped3A_144, %dma_start3A_185, %dma_start3A_186] : memref<4x32x768xf32, #tpu.memory_space<vmem>> -> memref<1x32x768xf32, #tpu.memory_space<vmem>>
      %dma_start3A_188 = tpu.memref_squeeze %dma_start3A_187 : memref<1x32x768xf32, #tpu.memory_space<vmem>> -> memref<32x768xf32, #tpu.memory_space<vmem>>
      %dma_start3A_189 = arith.constant 0 : i32
      %dma_start3A_190 = tpu.memref_slice %arg4[%add3A_143, %dma_start3A_189] : memref<8192x768xf32, #tpu.memory_space<hbm>> -> memref<32x768xf32, #tpu.memory_space<hbm>>
      %dma_start3A_191 = arith.constant 0 : i32
      %dma_start3A_192 = tpu.memref_slice %arg4[%add3A_143, %dma_start3A_191] : memref<8192x768xf32, #tpu.memory_space<hbm>> -> memref<32x768xf32, #tpu.memory_space<hbm>>
      %dma_start3A_193 = arith.constant 0 : i32
      %dma_start3A_194 = arith.constant 0 : i32
      %dma_start3A_195 = tpu.memref_slice %arg6[%run_scoped3A_144, %dma_start3A_193, %dma_start3A_194] : memref<4x32x768xf32, #tpu.memory_space<vmem>> -> memref<1x32x768xf32, #tpu.memory_space<vmem>>
      %dma_start3A_196 = tpu.memref_squeeze %dma_start3A_195 : memref<1x32x768xf32, #tpu.memory_space<vmem>> -> memref<32x768xf32, #tpu.memory_space<vmem>>
      tpu.enqueue_dma source(%dma_start3A_196 : memref<32x768xf32, #tpu.memory_space<vmem>>) target(%dma_start3A_192 : memref<32x768xf32, #tpu.memory_space<hbm>>) target_semaphore(%run_scoped3A_184 : memref<!tpu.dma_semaphore, #tpu.memory_space<semaphore_mem>>)
      %dma_wait3A_197 = arith.constant 0 : i32
      %dma_wait3A_198 = arith.constant 0 : i32
      %dma_wait3A_199 = tpu.memref_slice %arg6[%run_scoped3A_144, %dma_wait3A_197, %dma_wait3A_198] : memref<4x32x768xf32, #tpu.memory_space<vmem>> -> memref<1x32x768xf32, #tpu.memory_space<vmem>>
      %dma_wait3A_200 = tpu.memref_squeeze %dma_wait3A_199 : memref<1x32x768xf32, #tpu.memory_space<vmem>> -> memref<32x768xf32, #tpu.memory_space<vmem>>
      %dma_wait3A_201 = arith.constant 0 : i32
      %dma_wait3A_202 = tpu.memref_slice %arg4[%add3A_143, %dma_wait3A_201] : memref<8192x768xf32, #tpu.memory_space<hbm>> -> memref<32x768xf32, #tpu.memory_space<hbm>>
      %dma_wait3A_203 = arith.constant 0 : i32
      %dma_wait3A_204 = tpu.memref_slice %arg4[%add3A_143, %dma_wait3A_203] : memref<8192x768xf32, #tpu.memory_space<hbm>> -> memref<32x768xf32, #tpu.memory_space<hbm>>
      %dma_wait3A_205 = arith.constant 0 : i32
      %dma_wait3A_206 = arith.constant 0 : i32
      %dma_wait3A_207 = tpu.memref_slice %arg6[%run_scoped3A_144, %dma_wait3A_205, %dma_wait3A_206] : memref<4x32x768xf32, #tpu.memory_space<vmem>> -> memref<1x32x768xf32, #tpu.memory_space<vmem>>
      %dma_wait3A_208 = tpu.memref_squeeze %dma_wait3A_207 : memref<1x32x768xf32, #tpu.memory_space<vmem>> -> memref<32x768xf32, #tpu.memory_space<vmem>>
      tpu.wait_dma2 semaphore(%run_scoped3A_184 : memref<!tpu.dma_semaphore, #tpu.memory_space<semaphore_mem>>) src(%dma_wait3A_208 : memref<32x768xf32, #tpu.memory_space<vmem>>) dst(%dma_wait3A_204 : memref<32x768xf32, #tpu.memory_space<hbm>>)
      tpu.yield
    }) : () -> ()
    %dma_wait3A_145 = arith.constant 1 : i32
    %dma_wait3A_146 = arith.constant 0 : i32
    %dma_wait3A_147 = arith.constant 0 : i32
    %dma_wait3A_148 = tpu.memref_slice %arg6[%dma_wait3A_145, %dma_wait3A_146, %dma_wait3A_147] : memref<4x32x768xf32, #tpu.memory_space<vmem>> -> memref<1x32x768xf32, #tpu.memory_space<vmem>>
    %dma_wait3A_149 = tpu.memref_squeeze %dma_wait3A_148 : memref<1x32x768xf32, #tpu.memory_space<vmem>> -> memref<32x768xf32, #tpu.memory_space<vmem>>
    %dma_wait3A_150 = arith.constant 160 : i32
    %dma_wait3A_151 = tpu.memref_slice %arg5[%dma_wait3A_150] : memref<256xi32, #tpu.memory_space<vmem>> -> memref<32xi32, #tpu.memory_space<vmem>>
    %dma_wait3A_152 = arith.constant 0 : i32
    %dma_wait3A_153 = arith.constant 0 : i32
    %dma_wait3A_154 = tpu.memref_slice %arg3[%dma_wait3A_152, %dma_wait3A_153] : memref<100000x768xf32, #tpu.memory_space<hbm>> -> memref<100000x768xf32, #tpu.memory_space<hbm>>
    tpu.wait_indirect_dma semaphore(%arg8 : memref<!tpu.dma_semaphore, #tpu.memory_space<semaphore_mem>>) src(%dma_wait3A_154 : memref<100000x768xf32, #tpu.memory_space<hbm>>) dst(%dma_wait3A_149 : memref<32x768xf32, #tpu.memory_space<vmem>>)
    %add3A_155 = arith.constant 160 : i32
    %add3A_156 = arith.addi %mul3A_2, %add3A_155 : i32
    %run_scoped3A_157 = arith.constant 1 : i32
    "tpu.region"() ({
      %run_scoped3A_184 = tpu.sem_alloc : memref<!tpu.dma_semaphore, #tpu.memory_space<semaphore_mem>>
      %dma_start3A_185 = arith.constant 0 : i32
      %dma_start3A_186 = arith.constant 0 : i32
      %dma_start3A_187 = tpu.memref_slice %arg6[%run_scoped3A_157, %dma_start3A_185, %dma_start3A_186] : memref<4x32x768xf32, #tpu.memory_space<vmem>> -> memref<1x32x768xf32, #tpu.memory_space<vmem>>
      %dma_start3A_188 = tpu.memref_squeeze %dma_start3A_187 : memref<1x32x768xf32, #tpu.memory_space<vmem>> -> memref<32x768xf32, #tpu.memory_space<vmem>>
      %dma_start3A_189 = arith.constant 0 : i32
      %dma_start3A_190 = tpu.memref_slice %arg4[%add3A_156, %dma_start3A_189] : memref<8192x768xf32, #tpu.memory_space<hbm>> -> memref<32x768xf32, #tpu.memory_space<hbm>>
      %dma_start3A_191 = arith.constant 0 : i32
      %dma_start3A_192 = tpu.memref_slice %arg4[%add3A_156, %dma_start3A_191] : memref<8192x768xf32, #tpu.memory_space<hbm>> -> memref<32x768xf32, #tpu.memory_space<hbm>>
      %dma_start3A_193 = arith.constant 0 : i32
      %dma_start3A_194 = arith.constant 0 : i32
      %dma_start3A_195 = tpu.memref_slice %arg6[%run_scoped3A_157, %dma_start3A_193, %dma_start3A_194] : memref<4x32x768xf32, #tpu.memory_space<vmem>> -> memref<1x32x768xf32, #tpu.memory_space<vmem>>
      %dma_start3A_196 = tpu.memref_squeeze %dma_start3A_195 : memref<1x32x768xf32, #tpu.memory_space<vmem>> -> memref<32x768xf32, #tpu.memory_space<vmem>>
      tpu.enqueue_dma source(%dma_start3A_196 : memref<32x768xf32, #tpu.memory_space<vmem>>) target(%dma_start3A_192 : memref<32x768xf32, #tpu.memory_space<hbm>>) target_semaphore(%run_scoped3A_184 : memref<!tpu.dma_semaphore, #tpu.memory_space<semaphore_mem>>)
      %dma_wait3A_197 = arith.constant 0 : i32
      %dma_wait3A_198 = arith.constant 0 : i32
      %dma_wait3A_199 = tpu.memref_slice %arg6[%run_scoped3A_157, %dma_wait3A_197, %dma_wait3A_198] : memref<4x32x768xf32, #tpu.memory_space<vmem>> -> memref<1x32x768xf32, #tpu.memory_space<vmem>>
      %dma_wait3A_200 = tpu.memref_squeeze %dma_wait3A_199 : memref<1x32x768xf32, #tpu.memory_space<vmem>> -> memref<32x768xf32, #tpu.memory_space<vmem>>
      %dma_wait3A_201 = arith.constant 0 : i32
      %dma_wait3A_202 = tpu.memref_slice %arg4[%add3A_156, %dma_wait3A_201] : memref<8192x768xf32, #tpu.memory_space<hbm>> -> memref<32x768xf32, #tpu.memory_space<hbm>>
      %dma_wait3A_203 = arith.constant 0 : i32
      %dma_wait3A_204 = tpu.memref_slice %arg4[%add3A_156, %dma_wait3A_203] : memref<8192x768xf32, #tpu.memory_space<hbm>> -> memref<32x768xf32, #tpu.memory_space<hbm>>
      %dma_wait3A_205 = arith.constant 0 : i32
      %dma_wait3A_206 = arith.constant 0 : i32
      %dma_wait3A_207 = tpu.memref_slice %arg6[%run_scoped3A_157, %dma_wait3A_205, %dma_wait3A_206] : memref<4x32x768xf32, #tpu.memory_space<vmem>> -> memref<1x32x768xf32, #tpu.memory_space<vmem>>
      %dma_wait3A_208 = tpu.memref_squeeze %dma_wait3A_207 : memref<1x32x768xf32, #tpu.memory_space<vmem>> -> memref<32x768xf32, #tpu.memory_space<vmem>>
      tpu.wait_dma2 semaphore(%run_scoped3A_184 : memref<!tpu.dma_semaphore, #tpu.memory_space<semaphore_mem>>) src(%dma_wait3A_208 : memref<32x768xf32, #tpu.memory_space<vmem>>) dst(%dma_wait3A_204 : memref<32x768xf32, #tpu.memory_space<hbm>>)
      tpu.yield
    }) : () -> ()
    %dma_wait3A_158 = arith.constant 2 : i32
    %dma_wait3A_159 = arith.constant 0 : i32
    %dma_wait3A_160 = arith.constant 0 : i32
    %dma_wait3A_161 = tpu.memref_slice %arg6[%dma_wait3A_158, %dma_wait3A_159, %dma_wait3A_160] : memref<4x32x768xf32, #tpu.memory_space<vmem>> -> memref<1x32x768xf32, #tpu.memory_space<vmem>>
    %dma_wait3A_162 = tpu.memref_squeeze %dma_wait3A_161 : memref<1x32x768xf32, #tpu.memory_space<vmem>> -> memref<32x768xf32, #tpu.memory_space<vmem>>
    %dma_wait3A_163 = arith.constant 192 : i32
    %dma_wait3A_164 = tpu.memref_slice %arg5[%dma_wait3A_163] : memref<256xi32, #tpu.memory_space<vmem>> -> memref<32xi32, #tpu.memory_space<vmem>>
    %dma_wait3A_165 = arith.constant 0 : i32
    %dma_wait3A_166 = arith.constant 0 : i32
    %dma_wait3A_167 = tpu.memref_slice %arg3[%dma_wait3A_165, %dma_wait3A_166] : memref<100000x768xf32, #tpu.memory_space<hbm>> -> memref<100000x768xf32, #tpu.memory_space<hbm>>
    tpu.wait_indirect_dma semaphore(%arg9 : memref<!tpu.dma_semaphore, #tpu.memory_space<semaphore_mem>>) src(%dma_wait3A_167 : memref<100000x768xf32, #tpu.memory_space<hbm>>) dst(%dma_wait3A_162 : memref<32x768xf32, #tpu.memory_space<vmem>>)
    %add3A_168 = arith.constant 192 : i32
    %add3A_169 = arith.addi %mul3A_2, %add3A_168 : i32
    %run_scoped3A_170 = arith.constant 2 : i32
    "tpu.region"() ({
      %run_scoped3A_184 = tpu.sem_alloc : memref<!tpu.dma_semaphore, #tpu.memory_space<semaphore_mem>>
      %dma_start3A_185 = arith.constant 0 : i32
      %dma_start3A_186 = arith.constant 0 : i32
      %dma_start3A_187 = tpu.memref_slice %arg6[%run_scoped3A_170, %dma_start3A_185, %dma_start3A_186] : memref<4x32x768xf32, #tpu.memory_space<vmem>> -> memref<1x32x768xf32, #tpu.memory_space<vmem>>
      %dma_start3A_188 = tpu.memref_squeeze %dma_start3A_187 : memref<1x32x768xf32, #tpu.memory_space<vmem>> -> memref<32x768xf32, #tpu.memory_space<vmem>>
      %dma_start3A_189 = arith.constant 0 : i32
      %dma_start3A_190 = tpu.memref_slice %arg4[%add3A_169, %dma_start3A_189] : memref<8192x768xf32, #tpu.memory_space<hbm>> -> memref<32x768xf32, #tpu.memory_space<hbm>>
      %dma_start3A_191 = arith.constant 0 : i32
      %dma_start3A_192 = tpu.memref_slice %arg4[%add3A_169, %dma_start3A_191] : memref<8192x768xf32, #tpu.memory_space<hbm>> -> memref<32x768xf32, #tpu.memory_space<hbm>>
      %dma_start3A_193 = arith.constant 0 : i32
      %dma_start3A_194 = arith.constant 0 : i32
      %dma_start3A_195 = tpu.memref_slice %arg6[%run_scoped3A_170, %dma_start3A_193, %dma_start3A_194] : memref<4x32x768xf32, #tpu.memory_space<vmem>> -> memref<1x32x768xf32, #tpu.memory_space<vmem>>
      %dma_start3A_196 = tpu.memref_squeeze %dma_start3A_195 : memref<1x32x768xf32, #tpu.memory_space<vmem>> -> memref<32x768xf32, #tpu.memory_space<vmem>>
      tpu.enqueue_dma source(%dma_start3A_196 : memref<32x768xf32, #tpu.memory_space<vmem>>) target(%dma_start3A_192 : memref<32x768xf32, #tpu.memory_space<hbm>>) target_semaphore(%run_scoped3A_184 : memref<!tpu.dma_semaphore, #tpu.memory_space<semaphore_mem>>)
      %dma_wait3A_197 = arith.constant 0 : i32
      %dma_wait3A_198 = arith.constant 0 : i32
      %dma_wait3A_199 = tpu.memref_slice %arg6[%run_scoped3A_170, %dma_wait3A_197, %dma_wait3A_198] : memref<4x32x768xf32, #tpu.memory_space<vmem>> -> memref<1x32x768xf32, #tpu.memory_space<vmem>>
      %dma_wait3A_200 = tpu.memref_squeeze %dma_wait3A_199 : memref<1x32x768xf32, #tpu.memory_space<vmem>> -> memref<32x768xf32, #tpu.memory_space<vmem>>
      %dma_wait3A_201 = arith.constant 0 : i32
      %dma_wait3A_202 = tpu.memref_slice %arg4[%add3A_169, %dma_wait3A_201] : memref<8192x768xf32, #tpu.memory_space<hbm>> -> memref<32x768xf32, #tpu.memory_space<hbm>>
      %dma_wait3A_203 = arith.constant 0 : i32
      %dma_wait3A_204 = tpu.memref_slice %arg4[%add3A_169, %dma_wait3A_203] : memref<8192x768xf32, #tpu.memory_space<hbm>> -> memref<32x768xf32, #tpu.memory_space<hbm>>
      %dma_wait3A_205 = arith.constant 0 : i32
      %dma_wait3A_206 = arith.constant 0 : i32
      %dma_wait3A_207 = tpu.memref_slice %arg6[%run_scoped3A_170, %dma_wait3A_205, %dma_wait3A_206] : memref<4x32x768xf32, #tpu.memory_space<vmem>> -> memref<1x32x768xf32, #tpu.memory_space<vmem>>
      %dma_wait3A_208 = tpu.memref_squeeze %dma_wait3A_207 : memref<1x32x768xf32, #tpu.memory_space<vmem>> -> memref<32x768xf32, #tpu.memory_space<vmem>>
      tpu.wait_dma2 semaphore(%run_scoped3A_184 : memref<!tpu.dma_semaphore, #tpu.memory_space<semaphore_mem>>) src(%dma_wait3A_208 : memref<32x768xf32, #tpu.memory_space<vmem>>) dst(%dma_wait3A_204 : memref<32x768xf32, #tpu.memory_space<hbm>>)
      tpu.yield
    }) : () -> ()
    %dma_wait3A_171 = arith.constant 3 : i32
    %dma_wait3A_172 = arith.constant 0 : i32
    %dma_wait3A_173 = arith.constant 0 : i32
    %dma_wait3A_174 = tpu.memref_slice %arg6[%dma_wait3A_171, %dma_wait3A_172, %dma_wait3A_173] : memref<4x32x768xf32, #tpu.memory_space<vmem>> -> memref<1x32x768xf32, #tpu.memory_space<vmem>>
    %dma_wait3A_175 = tpu.memref_squeeze %dma_wait3A_174 : memref<1x32x768xf32, #tpu.memory_space<vmem>> -> memref<32x768xf32, #tpu.memory_space<vmem>>
    %dma_wait3A_176 = arith.constant 224 : i32
    %dma_wait3A_177 = tpu.memref_slice %arg5[%dma_wait3A_176] : memref<256xi32, #tpu.memory_space<vmem>> -> memref<32xi32, #tpu.memory_space<vmem>>
    %dma_wait3A_178 = arith.constant 0 : i32
    %dma_wait3A_179 = arith.constant 0 : i32
    %dma_wait3A_180 = tpu.memref_slice %arg3[%dma_wait3A_178, %dma_wait3A_179] : memref<100000x768xf32, #tpu.memory_space<hbm>> -> memref<100000x768xf32, #tpu.memory_space<hbm>>
    tpu.wait_indirect_dma semaphore(%arg10 : memref<!tpu.dma_semaphore, #tpu.memory_space<semaphore_mem>>) src(%dma_wait3A_180 : memref<100000x768xf32, #tpu.memory_space<hbm>>) dst(%dma_wait3A_175 : memref<32x768xf32, #tpu.memory_space<vmem>>)
    %add3A_181 = arith.constant 224 : i32
    %add3A_182 = arith.addi %mul3A_2, %add3A_181 : i32
    %run_scoped3A_183 = arith.constant 3 : i32
    "tpu.region"() ({
      %run_scoped3A_184 = tpu.sem_alloc : memref<!tpu.dma_semaphore, #tpu.memory_space<semaphore_mem>>
      %dma_start3A_185 = arith.constant 0 : i32
      %dma_start3A_186 = arith.constant 0 : i32
      %dma_start3A_187 = tpu.memref_slice %arg6[%run_scoped3A_183, %dma_start3A_185, %dma_start3A_186] : memref<4x32x768xf32, #tpu.memory_space<vmem>> -> memref<1x32x768xf32, #tpu.memory_space<vmem>>
      %dma_start3A_188 = tpu.memref_squeeze %dma_start3A_187 : memref<1x32x768xf32, #tpu.memory_space<vmem>> -> memref<32x768xf32, #tpu.memory_space<vmem>>
      %dma_start3A_189 = arith.constant 0 : i32
      %dma_start3A_190 = tpu.memref_slice %arg4[%add3A_182, %dma_start3A_189] : memref<8192x768xf32, #tpu.memory_space<hbm>> -> memref<32x768xf32, #tpu.memory_space<hbm>>
      %dma_start3A_191 = arith.constant 0 : i32
      %dma_start3A_192 = tpu.memref_slice %arg4[%add3A_182, %dma_start3A_191] : memref<8192x768xf32, #tpu.memory_space<hbm>> -> memref<32x768xf32, #tpu.memory_space<hbm>>
      %dma_start3A_193 = arith.constant 0 : i32
      %dma_start3A_194 = arith.constant 0 : i32
      %dma_start3A_195 = tpu.memref_slice %arg6[%run_scoped3A_183, %dma_start3A_193, %dma_start3A_194] : memref<4x32x768xf32, #tpu.memory_space<vmem>> -> memref<1x32x768xf32, #tpu.memory_space<vmem>>
      %dma_start3A_196 = tpu.memref_squeeze %dma_start3A_195 : memref<1x32x768xf32, #tpu.memory_space<vmem>> -> memref<32x768xf32, #tpu.memory_space<vmem>>
      tpu.enqueue_dma source(%dma_start3A_196 : memref<32x768xf32, #tpu.memory_space<vmem>>) target(%dma_start3A_192 : memref<32x768xf32, #tpu.memory_space<hbm>>) target_semaphore(%run_scoped3A_184 : memref<!tpu.dma_semaphore, #tpu.memory_space<semaphore_mem>>)
      %dma_wait3A_197 = arith.constant 0 : i32
      %dma_wait3A_198 = arith.constant 0 : i32
      %dma_wait3A_199 = tpu.memref_slice %arg6[%run_scoped3A_183, %dma_wait3A_197, %dma_wait3A_198] : memref<4x32x768xf32, #tpu.memory_space<vmem>> -> memref<1x32x768xf32, #tpu.memory_space<vmem>>
      %dma_wait3A_200 = tpu.memref_squeeze %dma_wait3A_199 : memref<1x32x768xf32, #tpu.memory_space<vmem>> -> memref<32x768xf32, #tpu.memory_space<vmem>>
      %dma_wait3A_201 = arith.constant 0 : i32
      %dma_wait3A_202 = tpu.memref_slice %arg4[%add3A_182, %dma_wait3A_201] : memref<8192x768xf32, #tpu.memory_space<hbm>> -> memref<32x768xf32, #tpu.memory_space<hbm>>
      %dma_wait3A_203 = arith.constant 0 : i32
      %dma_wait3A_204 = tpu.memref_slice %arg4[%add3A_182, %dma_wait3A_203] : memref<8192x768xf32, #tpu.memory_space<hbm>> -> memref<32x768xf32, #tpu.memory_space<hbm>>
      %dma_wait3A_205 = arith.constant 0 : i32
      %dma_wait3A_206 = arith.constant 0 : i32
      %dma_wait3A_207 = tpu.memref_slice %arg6[%run_scoped3A_183, %dma_wait3A_205, %dma_wait3A_206] : memref<4x32x768xf32, #tpu.memory_space<vmem>> -> memref<1x32x768xf32, #tpu.memory_space<vmem>>
      %dma_wait3A_208 = tpu.memref_squeeze %dma_wait3A_207 : memref<1x32x768xf32, #tpu.memory_space<vmem>> -> memref<32x768xf32, #tpu.memory_space<vmem>>
      tpu.wait_dma2 semaphore(%run_scoped3A_184 : memref<!tpu.dma_semaphore, #tpu.memory_space<semaphore_mem>>) src(%dma_wait3A_208 : memref<32x768xf32, #tpu.memory_space<vmem>>) dst(%dma_wait3A_204 : memref<32x768xf32, #tpu.memory_space<hbm>>)
      tpu.yield
    }) : () -> ()
    return
  }
}

module attributes {stable_mosaic.version = 14 : i64} {
  func.func @_ln_body(%arg0: i32, %arg1: i32, %arg2: memref<2048x768xf32, #tpu.memory_space<vmem>>, %arg3: memref<2048x768xf32, #tpu.memory_space<vmem>>, %arg4: memref<2048x1xf32, #tpu.memory_space<vmem>>, %arg5: memref<8x768xf32, #tpu.memory_space<vmem>>, %arg6: memref<768xf32, #tpu.memory_space<vmem>>, %arg7: memref<768xf32, #tpu.memory_space<vmem>>, %arg8: memref<2048x768xf32, #tpu.memory_space<vmem>>) attributes {dimension_semantics = [#tpu.dimension_semantics<arbitrary>, #tpu.dimension_semantics<arbitrary>], iteration_bounds = array<i64: 1, 4>, scalar_prefetch = 0 : i64, scratch_operands = 0 : i64, tpu.core_type = #tpu.core_type<tc>, window_params = [{transform_indices = @transform_0, window_bounds = array<i64: 2048, 768>}, {transform_indices = @transform_1, window_bounds = array<i64: 2048, 768>}, {transform_indices = @transform_2, window_bounds = array<i64: 2048, 1>}, {pipeline_mode = #tpu.pipeline_mode<synchronous>, transform_indices = @transform_3, window_bounds = array<i64: 8, 768>}, {pipeline_mode = #tpu.pipeline_mode<synchronous>, transform_indices = @transform_4, window_bounds = array<i64: 768>}, {pipeline_mode = #tpu.pipeline_mode<synchronous>, transform_indices = @transform_5, window_bounds = array<i64: 768>}, {transform_indices = @transform_6, window_bounds = array<i64: 2048, 768>}]} {
    %get3A = arith.constant 0 : index
    %get3A_0 = arith.constant 0 : index
    %get3A_1 = vector.load %arg2[%get3A, %get3A_0] : memref<2048x768xf32, #tpu.memory_space<vmem>>, vector<2048x768xf32>
    %get3A_2 = arith.constant 0 : index
    %get3A_3 = arith.constant 0 : index
    %get3A_4 = vector.load %arg3[%get3A_2, %get3A_3] : memref<2048x768xf32, #tpu.memory_space<vmem>>, vector<2048x768xf32>
    %add3A = arith.addf %get3A_1, %get3A_4 : vector<2048x768xf32>
    %get3A_5 = arith.constant 0 : index
    %get3A_6 = arith.constant 0 : index
    %get3A_7 = vector.load %arg4[%get3A_5, %get3A_6] : memref<2048x1xf32, #tpu.memory_space<vmem>>, vector<2048x1xf32>
    %get3A_8 = arith.constant 0 : index
    %get3A_9 = arith.constant 0 : index
    %get3A_10 = vector.load %arg5[%get3A_8, %get3A_9] : memref<8x768xf32, #tpu.memory_space<vmem>>, vector<1x768xf32>
    %get3A_11 = arith.constant 1 : index
    %get3A_12 = arith.constant 0 : index
    %get3A_13 = vector.load %arg5[%get3A_11, %get3A_12] : memref<8x768xf32, #tpu.memory_space<vmem>>, vector<1x768xf32>
    %get3A_14 = arith.constant 0 : index
    %get3A_15 = arith.constant 0 : index
    %get3A_16 = vector.load %arg5[%get3A_14, %get3A_15] : memref<8x768xf32, #tpu.memory_space<vmem>>, vector<1x768xf32>
    %sub3A = arith.subf %get3A_13, %get3A_16 : vector<1x768xf32>
    %mul3A = vector.broadcast %get3A_7 : vector<2048x1xf32> to vector<2048x768xf32>
    %mul3A_17 = vector.broadcast %sub3A : vector<1x768xf32> to vector<2048x768xf32>
    %mul3A_18 = arith.mulf %mul3A, %mul3A_17 : vector<2048x768xf32>
    %add3A_19 = vector.broadcast %get3A_10 : vector<1x768xf32> to vector<2048x768xf32>
    %add3A_20 = arith.addf %add3A_19, %mul3A_18 : vector<2048x768xf32>
    %add3A_21 = arith.addf %add3A, %add3A_20 : vector<2048x768xf32>
    %reduce_sum3A = arith.constant dense<0.000000e+00> : vector<2048xf32>
    %reduce_sum3A_22 = vector.multi_reduction <add>, %add3A_21, %reduce_sum3A [1] : vector<2048x768xf32> to vector<2048xf32>
    %broadcast_in_dim3A = vector.shape_cast %reduce_sum3A_22 : vector<2048xf32> to vector<2048x1xf32>
    %div3A = arith.constant 7.680000e+02 : f32
    %div3A_23 = vector.broadcast %div3A : f32 to vector<2048x1xf32>
    %div3A_24 = arith.divf %broadcast_in_dim3A, %div3A_23 : vector<2048x1xf32>
    %sub3A_25 = vector.broadcast %div3A_24 : vector<2048x1xf32> to vector<2048x768xf32>
    %sub3A_26 = arith.subf %add3A_21, %sub3A_25 : vector<2048x768xf32>
    %mul3A_27 = arith.mulf %sub3A_26, %sub3A_26 : vector<2048x768xf32>
    %reduce_sum3A_28 = arith.constant dense<0.000000e+00> : vector<2048xf32>
    %reduce_sum3A_29 = vector.multi_reduction <add>, %mul3A_27, %reduce_sum3A_28 [1] : vector<2048x768xf32> to vector<2048xf32>
    %broadcast_in_dim3A_30 = vector.shape_cast %reduce_sum3A_29 : vector<2048xf32> to vector<2048x1xf32>
    %div3A_31 = arith.constant 7.680000e+02 : f32
    %div3A_32 = vector.broadcast %div3A_31 : f32 to vector<2048x1xf32>
    %div3A_33 = arith.divf %broadcast_in_dim3A_30, %div3A_32 : vector<2048x1xf32>
    %add3A_34 = arith.constant 9.99999996E-13 : f32
    %add3A_35 = vector.broadcast %add3A_34 : f32 to vector<2048x1xf32>
    %add3A_36 = arith.addf %div3A_33, %add3A_35 : vector<2048x1xf32>
    %rsqrt3A = math.rsqrt %add3A_36 : vector<2048x1xf32>
    %mul3A_37 = vector.broadcast %rsqrt3A : vector<2048x1xf32> to vector<2048x768xf32>
    %mul3A_38 = arith.mulf %sub3A_26, %mul3A_37 : vector<2048x768xf32>
    %get3A_39 = arith.constant 0 : index
    %get3A_40 = vector.load %arg6[%get3A_39] : memref<768xf32, #tpu.memory_space<vmem>>, vector<768xf32>
    %broadcast_in_dim3A_41 = vector.shape_cast %get3A_40 : vector<768xf32> to vector<1x768xf32>
    %mul3A_42 = vector.broadcast %broadcast_in_dim3A_41 : vector<1x768xf32> to vector<2048x768xf32>
    %mul3A_43 = arith.mulf %mul3A_38, %mul3A_42 : vector<2048x768xf32>
    %get3A_44 = arith.constant 0 : index
    %get3A_45 = vector.load %arg7[%get3A_44] : memref<768xf32, #tpu.memory_space<vmem>>, vector<768xf32>
    %broadcast_in_dim3A_46 = vector.shape_cast %get3A_45 : vector<768xf32> to vector<1x768xf32>
    %add3A_47 = vector.broadcast %broadcast_in_dim3A_46 : vector<1x768xf32> to vector<2048x768xf32>
    %add3A_48 = arith.addf %mul3A_43, %add3A_47 : vector<2048x768xf32>
    %swap3A = arith.constant 0 : index
    %swap3A_49 = arith.constant 0 : index
    %swap3A_50 = vector.load %arg8[%swap3A, %swap3A_49] : memref<2048x768xf32, #tpu.memory_space<vmem>>, vector<2048x768xf32>
    tpu.vector_store %arg8[%swap3A, %swap3A_49], %add3A_48 {strides = array<i32>} : memref<2048x768xf32, #tpu.memory_space<vmem>>, vector<2048x768xf32>,
    return
  }
  func.func @transform_0(%arg0: i32, %arg1: i32) -> (i32, i32) {
    %mul3A = arith.constant 1 : i32
    %mul3A_0 = arith.muli %arg1, %mul3A : i32
    %add3A = arith.addi %mul3A_0, %arg0 : i32
    %c0_i32 = arith.constant 0 : i32
    %c0_i32_1 = arith.constant 0 : i32
    return %add3A, %c0_i32 : i32, i32
  }
  func.func @transform_1(%arg0: i32, %arg1: i32) -> (i32, i32) {
    %c0_i32 = arith.constant 0 : i32
    %c0_i32_0 = arith.constant 0 : i32
    return %arg0, %c0_i32 : i32, i32
  }
  func.func @transform_2(%arg0: i32, %arg1: i32) -> (i32, i32) {
    %mul3A = arith.constant 1 : i32
    %mul3A_0 = arith.muli %arg1, %mul3A : i32
    %add3A = arith.addi %mul3A_0, %arg0 : i32
    %c0_i32 = arith.constant 0 : i32
    %c0_i32_1 = arith.constant 0 : i32
    return %add3A, %c0_i32 : i32, i32
  }
  func.func @transform_3(%arg0: i32, %arg1: i32) -> (i32, i32) {
    %c0_i32 = arith.constant 0 : i32
    %c0_i32_0 = arith.constant 0 : i32
    %c0_i32_1 = arith.constant 0 : i32
    return %c0_i32, %c0_i32_0 : i32, i32
  }
  func.func @transform_4(%arg0: i32, %arg1: i32) -> i32 {
    %c0_i32 = arith.constant 0 : i32
    %c0_i32_0 = arith.constant 0 : i32
    return %c0_i32 : i32
  }
  func.func @transform_5(%arg0: i32, %arg1: i32) -> i32 {
    %c0_i32 = arith.constant 0 : i32
    %c0_i32_0 = arith.constant 0 : i32
    return %c0_i32 : i32
  }
  func.func @transform_6(%arg0: i32, %arg1: i32) -> (i32, i32) {
    %mul3A = arith.constant 1 : i32
    %mul3A_0 = arith.muli %arg1, %mul3A : i32
    %add3A = arith.addi %mul3A_0, %arg0 : i32
    %c0_i32 = arith.constant 0 : i32
    %c0_i32_1 = arith.constant 0 : i32
    return %add3A, %c0_i32 : i32, i32
  }
}

</mosaic_0001>

<sc_bundles>
// kernel: kernel.4.cloned.1.call-start
scs
__scs_entry_jumppad:
0x0: {  	(pc) =	sbr.rel $0x88, $3  }
0x1: {  	(tag) =	ssettag $0x0;
	lr =	simm.s32 $0x1  }
0x2: {  	[smem:$0x3F9A] =	sst lr;
	_ =	strace $0xD0000000  }
0x3: {  	_ = 	snop  }
0x4: {  	_ = 	snop  }
0x5: {  	_ = 	snop  }
0x6: {  	_ = 	snop  }
0x7: {  	_ = 	snop  }
__scs_overlays_trampoline_lowered:
0x8: {  	[smem:$0x3FA9] =	sst s0  }
0x9: {  	[smem:$0x3FAA] =	sst s1  }
0xa: {  	[smem:$0x3FAB] =	sst s2  }
0xb: {  	[smem:$0x3FAC] =	sst s3  }
0xc: {  	[smem:$0x3FAD] =	sst s4  }
0xd: {  	[smem:$0x3FAE] =	sst s5  }
0xe: {  	[smem:$0x3FAF] =	sst s6  }
0xf: {  	[smem:$0x3FB0] =	sst s7  }
0x10: {  	[smem:$0x3FB1] =	sst s8  }
0x11: {  	[smem:$0x3FB2] =	sst s9;
	s0 =	simm.s32 @!p0 $0x0  }
0x12: {  	s1 =	sld [smem:$0x3F98];
	s0 =	simm.s32 @p0 $0x1  }
0x13: {  	[smem:$0x3FB3] =	sst s0;
	s0 =	simm.s32 @!p1 $0x0  }
0x14: {  	s2 =	sld [smem:$0x3F97];
	s0 =	simm.s32 @p1 $0x1  }
0x15: {  	[smem:$0x3FB4] =	sst s0;
	s0 =	simm.s32 @!p2 $0x0  }
0x16: {  	s3 =	sld [smem:$0x3FDB];
	s0 =	simm.s32 @p2 $0x1  }
0x17: {  	s4 =	simm.s32 $0x1BF5;
	[smem:$0x3FB6] =	sst s0  }
0x18: {  	s0 =	sld [smem:$0x3F99];
	_ =	swait.ge [sflag:s4], $0x0  }
0x19: {  	s7 =	sld [smem:$0x3F9A]  }
0x1a: {  	s8 =	sadd.s32 $0xFFFFE003, lr  }
0x1b: {  	s9 =	sadd.s32 $0xFFFFFEF7, lr;
	s5 =	simm.s32 $0xFFFFFFFF;
	p2 =	slt.u32 s8, $0xFFFFF086  }
0x1c: {  	p1 =	slt.u32 s9, $0xF7A;
	s5 =	simm.s32 @!p2 $0x0  }
0x1d: {  	s5 =	simm.s32 @p1 $0x1;
	p0 =	seq.s32 s7, s2  }
0x1e: {  	s7 =	smul.u32 @!p0 $0xF7A, s2;
	p2 =	seq.s32 @!p0 s5, $0x0  }
0x1f: {  	s9 =	smul.u32 $0xF7A, s1;
	s8 =	simm.s32 @!p0 $0x1BF5;
	p2 =	por !p2, p0  }
0x20: {  	[sflag:s8] =	ssyncset.s32 @!p0 $0xFFFFF086;
	s6 =	sadd.s32 @!p0 s3, s7;
	s7 =	simm.s32 @!p0 $0x108  }
0x21: {  	s3 =	sadd.s32 s3, s9;
	s6 =	sadd.s32 @!p0 $0x88, s6;
	s7 =	simm.s32 @p2 $0x1082  }
0x22: {  	[simem:s7], [sflag:s8] =	dma.local @!p0 [hbm:s6], $0xF7A  }
0x23: {  	s9 =	sor.u32 $0xD0000000, s2;
	s6 =	simm.s32 $0x108;
	_ =	swait.ge @!p0 [sflag:s8], $0x0  }
0x24: {  	s3 =	sadd.s32 $0x88, s3;
	s6 =	simm.s32 @!p1 $0x1082;
	[sflag:s4] =	ssyncset.s32 $0xFFFFF086  }
0x25: {  	[simem:s6], [sflag:s4] =	dma.local [hbm:s3], $0xF7A  }
0x26: {  	[smem:$0x3F9A] =	sst s1;
	(tag) =	ssettag s2;
	_ =	strace s9  }
0x27: {  	s1 =	sld [smem:$0x3FAA]  }
0x28: {  	s2 =	sld [smem:$0x3FAB]  }
0x29: {  	s4 =	sld [smem:$0x3FAD]  }
0x2a: {  	p0 =	seq.s32 s5, $0x0;
	s5 =	sld [smem:$0x3FAE]  }
0x2b: {  	s6 =	sld [smem:$0x3FAF]  }
0x2c: {  	s7 =	sld [smem:$0x3FB0]  }
0x2d: {  	s3 =	simm.s32 $0x108;
	s8 =	sld [smem:$0x3FB1]  }
0x2e: {  	s3 =	simm.s32 @!p0 $0x1082;
	s9 =	sld [smem:$0x3FB2]  }
0x2f: {  	lr =	sadd.s32 s0, s3;
	s0 =	sld [smem:$0x3FA9]  }
0x30: {  	s3 =	sld [smem:$0x3FAC]  }
0x31: {  	[smem:$0x3FB5] =	sst s10  }
0x32: {  	s10 =	sld [smem:$0x3FB3];
	_ =	sdelay $0x3  }
0x33: {  	p0 =	seq.s32 s10, $0x1;
	s10 =	sld [smem:$0x3FB5];
	_ =	sdelay $0x3  }
0x34: {  	[smem:$0x3FB5] =	sst s10  }
0x35: {  	s10 =	sld [smem:$0x3FB4];
	_ =	sdelay $0x3  }
0x36: {  	p1 =	seq.s32 s10, $0x1;
	s10 =	sld [smem:$0x3FB5];
	_ =	sdelay $0x3  }
0x37: {  	[smem:$0x3FB5] =	sst s10  }
0x38: {  	s10 =	sld [smem:$0x3FB6]  }
0x39: {  	_ = 	snop;
	(pc) =	sbr.ind lr, $3  }
0x3a: {  	_ = 	snop  }
0x3b: {  	_ = 	snop  }
0x3c: {  	p2 =	seq.s32 s10, $0x1;
	s10 =	sld [smem:$0x3FB5]  }
0x3d: {  	_ =	shalt  }
0x3e: {  	_ =	shalt  }
0x3f: {  	_ =	shalt  }
0x40: {  	_ =	shalt  }
0x41: {  	_ =	shalt  }
0x42: {  	_ =	shalt  }
0x43: {  	_ =	shalt  }
0x44: {  	_ =	shalt  }
0x45: {  	_ =	shalt  }
0x46: {  	_ =	shalt  }
0x47: {  	_ =	shalt  }
0x48: {  	_ =	shalt  }
0x49: {  	_ =	shalt  }
0x4a: {  	_ =	shalt  }
0x4b: {  	_ =	shalt  }
0x4c: {  	_ =	shalt  }
0x4d: {  	_ =	shalt  }
0x4e: {  	_ =	shalt  }
0x4f: {  	_ =	shalt  }
0x50: {  	_ =	shalt  }
0x51: {  	_ =	shalt  }
0x52: {  	_ =	shalt  }
0x53: {  	_ =	shalt  }
0x54: {  	_ =	shalt  }
0x55: {  	_ =	shalt  }
0x56: {  	_ =	shalt  }
0x57: {  	_ =	shalt  }
0x58: {  	_ =	shalt  }
0x59: {  	_ =	shalt  }
0x5a: {  	_ =	shalt  }
0x5b: {  	_ =	shalt  }
0x5c: {  	_ =	shalt  }
0x5d: {  	_ =	shalt  }
0x5e: {  	_ =	shalt  }
0x5f: {  	_ =	shalt  }
0x60: {  	_ =	shalt  }
0x61: {  	_ =	shalt  }
0x62: {  	_ =	shalt  }
0x63: {  	_ =	shalt  }
0x64: {  	_ =	shalt  }
0x65: {  	_ =	shalt  }
0x66: {  	_ =	shalt  }
0x67: {  	_ =	shalt  }
0x68: {  	_ =	shalt  }
0x69: {  	_ =	shalt  }
0x6a: {  	_ =	shalt  }
0x6b: {  	_ =	shalt  }
0x6c: {  	_ =	shalt  }
0x6d: {  	_ =	shalt  }
0x6e: {  	_ =	shalt  }
0x6f: {  	_ =	shalt  }
0x70: {  	_ =	shalt  }
0x71: {  	_ =	shalt  }
0x72: {  	_ =	shalt  }
0x73: {  	_ =	shalt  }
0x74: {  	_ =	shalt  }
0x75: {  	_ =	shalt  }
0x76: {  	_ =	shalt  }
0x77: {  	_ =	shalt  }
0x78: {  	_ =	shalt  }
0x79: {  	_ =	shalt  }
0x7a: {  	_ =	shalt  }
0x7b: {  	_ =	shalt  }
0x7c: {  	_ =	shalt  }
0x7d: {  	_ =	shalt  }
0x7e: {  	_ =	shalt  }
0x7f: {  	_ =	shalt  }
0x80: {  	_ =	shalt  }
0x81: {  	_ =	shalt  }
0x82: {  	_ =	shalt  }
0x83: {  	_ =	shalt  }
0x84: {  	_ =	shalt  }
0x85: {  	_ =	shalt  }
0x86: {  	_ =	shalt  }
0x87: {  	_ =	shalt  }
.Lfunc_end0:
.L_simem_size_0:
called_computation_lowered:
.L_overlay_start_0:
0x88: {  	s2 =	sld [smem:$0x3FD9]  }
0x89: {  	s3 =	sld [smem:$0x3FFE];
	_ =	sdelay $0x1  }
0x8a: {  	s1 =	srdreg.scid  }
0x8b: {  	s0 =	sand.u32 $0x1, s1  }
0x8c: {  	s17 =	sshll.u32 s0, $0xA;
	s2 =	sadd.s32 s3, s2  }
0x8d: {  	s2 =	sadd.s32 s2, s17  }
0x8e: {  	[smem:$0x3FC1] =	sst s2  }
0x8f: {  	_ = 	snop  }
0x90: {  	s2 =	sld [smem:$0x3FC7]  }
0x91: {  	s18 =	sld [smem:$0x3FD0];
	(tm) =	ssettm $0x1  }
0x92: {  	s4 =	sld [smem:$0x3FFB];
	_ =	sdelay $0x3  }
0x93: {  	_ =	strace s4  }
0x94: {  	s4 =	sld [smem:$0x3FFC];
	_ =	sdelay $0x3  }
0x95: {  	_ =	strace s4  }
0x96: {  	s4 =	sld [smem:$0x3FFD];
	_ =	sdelay $0x3  }
0x97: {  	_ =	strace s4  }
0x98: {  	_ =	strace $0x8FFFFFFF  }
0x99: {  	s19 =	sld [smem:$0x3FDB];
	_ =	sdelay $0x1  }
0x9a: {  	s5 =	simm.s32 $_scs_section_size  }
0x9b: {  	s6 =	simm.s32 $_size__tile_overlayer_lowered;
	s7 =	simm.s32 $_tile_overlayer_lowered  }
0x9c: {  	s22 =	simm.s32 $0x1BFF;
	s21 =	sshll.u32 s7, $0x1;
	s4 =	sadd.s32 s5, s19  }
0x9d: {  	s8 =	simm.s32 $0x0;
	s20 =	sshll.u32 s6, $0x1;
	s6 =	sadd.s32 s21, s4  }
0x9e: {  	[timem:s8], [sflag:s22] =	dma.local [hbm:s6], s20  }
0x9f: {  	_ =	swait.ge [sflag:s22], s20  }
0xa0: {  	s5 =	ssub.s32 $0x0, s20;
	[sflag:s22] =	ssyncset.done $0x0  }
0xa1: {  	[sflag:s22] =	ssyncadd.s32 s5;
	_ =	sdelay $0x1  }
0xa2: {  	s23 =	simm.s32 $0x1B8B  }
0xa3: {  	_ =	swait.ge [sflag:s23], $0x1  }
0xa4: {  	[sflag:s23] =	ssyncset.done $0x0  }
0xa5: {  	s25 =	simm.s32 $0x1B8E;
	s24 =	sld [smem:$0x3FFE];
	[sflag:s23] =	ssyncadd.s32 $0xFFFFFFFF  }
0xa6: {  	s26 =	simm.s32 $execute0_lowered;
	[smem:$0x3FD2] =	sst s25  }
0xa7: {  	s6 =	sshll.u32 s26, $0x1;
	_ =	strace $0x80000046;
	[dreg:$0x1] =	wrdreg $0xFFFFFFFF  }
0xa8: {  	s28 =	simm.s32 $_size_execute0_lowered;
	s4 =	sadd.s32 s4, s6;
	[dreg:$0x0] =	wrdreg $0x0  }
0xa9: {  	s6 =	sshll.u32 s28, $0x1;
	[dreg:$0x2] =	wrdreg s4  }
0xaa: {  	[dreg:$0x3] =	wrdreg s6  }
0xab: {  	[dreg:$0x4] =	wrdreg $0xC0  }
0xac: {  	_ =	task [dreg:s8], $0x5FFFF  }
0xad: {  	[dreg:$0x1] =	wrdreg $0xFFFFFFFF  }
0xae: {  	[dreg:$0x0] =	wrdreg $0x60  }
0xaf: {  	[dreg:$0x2] =	wrdreg s18  }
0xb0: {  	[dreg:$0x3] =	wrdreg s2  }
0xb1: {  	[dreg:$0x4] =	wrdreg s24  }
0xb2: {  	[dreg:$0x5] =	wrdreg $0x9  }
0xb3: {  	_ =	task.clear_ibuf [dreg:s8], $0x6FFFF;
	_ =	strace $0x90000046  }
0xb4: {  	s29 =	simm.s32 $0x9;
	_ =	strace $0x80000048  }
0xb5: {  	_ =	swait.ge [sflag:s29], $0x1  }
0xb6: {  	[sflag:s29] =	ssyncadd.s32 $0xFFFFFFFF  }
0xb7: {  	_ =	strace $0x90000048  }
0xb8: {  	_ =	sfence  }
0xb9: {  	s30 =	sld [smem:$0x0];
	_ =	sdelay $0x2  }
0xba: {  	s31 =	sshll.u32 s1, $0xD;
	s1 =	sshrl.u32 s1, $0x2  }
0xbb: {  	s3 =	sand.u32 $0x4000, s31;
	s1 =	sadd.s32 s1, s30  }
0xbc: {  	s0 =	sor.u32 s3, s0;
	s1 =	sshll.u32 s1, $0x11  }
0xbd: {  	s0 =	sor.u32 s1, s0  }
0xbe: {  	s0 =	sadd.s32 $0x8F2B, s0  }
0xbf: {  	[sflag:s0] =	ssyncadd.remote.s32 $0x1  }
0xc0: {  	_ =	sfence.sel $0xFFFF  }
0xc1: {  	[dreg:$0x0] =	wrdreg $0xFFFFFFFF;
	(pc) =	sbr.abs _section_cstart, $3  }
0xc2: {  	[dreg:$0x1] =	wrdreg $0xFFFFFFFF  }
0xc3: {  	_ =	task.clear_ibuf [dreg:s8], $0x2FFFF;
	_ =	strace $0x9FFFFFFF  }
0xc4: {  	(tm) =	ssettm $0x7FFFFFFF  }
0xc5: {  	_ =	shalt  }
tec
execute0_lowered:
.L_overlay_start_1:
0x0: {  	(tag) =	ssettag $0x1  }
0x1: {  	s1 =	rddreg [dreg:$0x0]  }
0x2: {  	s0 =	srdreg.scid;
	s2 =	rddreg [dreg:$0x1]  }
0x3: {  	s3 =	stileid.u32;
	s5 =	rddreg [dreg:$0x2];
	s8 =	simm.s32 $0x5  }
0x4: {  	s17 =	simm.s32 $0x1100;
	s28 =	simm.s32 $0x5100;
	s29 =	simm.s32 $0x5900  }
0x5: {  	s30 =	simm.s32 $0x6900;
	s31 =	simm.s32 $0x7100;
	s0 =	sand.u32 $0x1, s0  }
0x6: {  	s13 =	simm.s32 $0xB100;
	s3 =	sshll.u32 s3, $0x6;
	s4 =	sshll.u32 s0, $0x5  }
0x7: {  	s14 =	simm.s32 $0xB900;
	s5 =	sadd.s32 $0xE00, s5;
	s4 =	sor.u32 s4, s3  }
0x8: {  	s0 =	ssub.s32 $0x2, s0;
	s3 =	simm.s32 $0x0;
	s6 =	smul.u32 $0x300, s4  }
0x9: {  	s24 =	sshrl.u32 s0, $0x1;
	[smem:$0x7FF] =	sst s3;
	s7 =	smul.u32 $0x1800, s4  }
0xa: {  	s1 =	sadd.s32 s1, s4;
	s0 =	ssub.s32 s0, s24;
	s24 =	simm.s32 $0x3900  }
0xb: {  	_ =	strace $0x80000047;
	[dreg:$0x4] =	wrdreg s1;
	s11 =	smax.u32 s0, $0x1  }
0xc: {  	s1 =	simm.s32 $0x12100;
	s6 =	sadd.s32 s5, s6;
	s19 =	sshrl.u32 s7, $0x3  }
0xd: {  	s18 =	sadd.s32 $0xC00, s6;
	[dreg:$0xc] =	wrdreg s6;
	s20 =	sadd.s32 $0x1800, s6  }
0xe: {  	s4 =	sadd.s32 s5, s19;
	s5 =	sadd.s32 $0x100, s2;
	[dreg:$0x5] =	wrdreg s18  }
0xf: {  	s6 =	sadd.s32 $0x200, s2;
	[dreg:$0x6] =	wrdreg s20;
	s21 =	sadd.s32 $0x2400, s4  }
0x10: {  	s19 =	simm.s32 $0x2100;
	s22 =	sadd.s32 $0x3000, s4;
	[dreg:$0x7] =	wrdreg s21  }
0x11: {  	s23 =	sadd.s32 $0x3C00, s4;
	s25 =	sadd.s32 $0x4800, s4;
	[dreg:$0x8] =	wrdreg s22  }
0x12: {  	s26 =	sadd.s32 $0x5400, s4;
	s18 =	simm.s32 $0x1900;
	[dreg:$0x9] =	wrdreg s23  }
0x13: {  	v2 =	vlaneseq.u32;
	s20 =	simm.s32 $0x2900;
	s4 =	simm.s32 $0xC100;
	[dreg:$0xa] =	wrdreg s25  }
0x14: {  	vm0 =	vmmov $0xffff;
	v1 =	vshrl.u32 v2, $0x3;
	[dreg:$0xb] =	wrdreg s26;
	s23 =	simm.s32 $0x3100;
	s25 =	simm.s32 $0x4100  }
0x15: {  	v0 =	vand.u32 $0x7, v2;
	v2 =	vor.u32 $0x8, v2;
	v1 =	vmul.u32 $0x8, v1;
	s26 =	simm.s32 $0x4900;
	s22 =	simm.s32 $0x9900;
	s21 =	simm.s32 $0xA900  }
.LBB2_1:
0x16: {  	s15 =	rddreg [dreg:$0x4]  }
0x17: {  	[tilespmem:s3], [sflag:$0x5] =	stream.linear.gather [hbm4b:s15+s3], $0x100, $0x38;
	[tilespmem:$0x18100] =	vst v63  }
0x18: {  	_ =	swait.ge [sflag:s8], $0x100  }
0x19: {  	[sflag:s8] =	ssyncset.done $0x0  }
0x1a: {  	[sflag:s8] =	ssyncadd.s32 $0xFFFFFF00  }
0x1b: {  	v3 =	vld [tilespmem:$0x0];
	_ =	sdelay $0x4  }
0x1c: {  	v4 =	vshrl.u32 v3, $0x3  }
0x1d: {  	v4 =	vmul.u32 $0x30, v4  }
0x1e: {  	v3 =	vand.u32 $0x7, v3  }
0x1f: {  	v3 =	vor.u32 v3, v4  }
0x20: {  	v4 =	vperm.xlane v3, v0;
	_ =	sdelay $0x1  }
0x21: {  	v4 =	vadd.s32 v1, v4;
	_ =	sdelay $0x3  }
0x22: {  	s0 =	simm.s32 $0x100;
	v3 =	vperm.xlane v3, v2  }
0x23: {  	[tilespmem:s0], [sflag:$0x1] =	stream.indirect_vreg.gather [hbm4b:s2+s3], $0x80, v4, vm0, $0xb8;
	[tilespmem:$0x18100] =	vst v63  }
0x24: {  	s16 =	simm.s32 $0x900;
	v3 =	vadd.s32 v1, v3  }
0x25: {  	[tilespmem:s16], [sflag:$0x1] =	stream.indirect_vreg.gather [hbm4b:s5+s3], $0x80, v4, vm0, $0xb8;
	[tilespmem:$0x18100] =	vst v63  }
0x26: {  	_ = 	snop  }
0x27: {  	[tilespmem:s17], [sflag:$0x1] =	stream.indirect_vreg.gather [hbm4b:s6+s3], $0x80, v4, vm0, $0xb8;
	[tilespmem:$0x18100] =	vst v63  }
0x28: {  	_ = 	snop  }
0x29: {  	[tilespmem:s18], [sflag:$0x1] =	stream.indirect_vreg.gather [hbm4b:s2+s3], $0x80, v3, vm0, $0xb8;
	[tilespmem:$0x18100] =	vst v63  }
0x2a: {  	_ = 	snop  }
0x2b: {  	[tilespmem:s19], [sflag:$0x1] =	stream.indirect_vreg.gather [hbm4b:s5+s3], $0x80, v3, vm0, $0xb8;
	[tilespmem:$0x18100] =	vst v63  }
0x2c: {  	_ = 	snop  }
0x2d: {  	[tilespmem:s20], [sflag:$0x1] =	stream.indirect_vreg.gather [hbm4b:s6+s3], $0x80, v3, vm0, $0xb8;
	[tilespmem:$0x18100] =	vst v63  }
0x2e: {  	v3 =	vld [tilespmem:$0x10];
	_ =	sdelay $0x4  }
0x2f: {  	v49 =	vshrl.u32 v3, $0x3  }
0x30: {  	v4 =	vmul.u32 $0x30, v49  }
0x31: {  	v3 =	vand.u32 $0x7, v3  }
0x32: {  	v3 =	vor.u32 v3, v4  }
0x33: {  	v4 =	vperm.xlane v3, v0;
	_ =	sdelay $0x1  }
0x34: {  	v4 =	vadd.s32 v1, v4;
	_ =	sdelay $0x3  }
0x35: {  	v3 =	vperm.xlane v3, v2  }
0x36: {  	[tilespmem:s23], [sflag:$0x1] =	stream.indirect_vreg.gather [hbm4b:s2+s3], $0x80, v4, vm0, $0xb8;
	[tilespmem:$0x18100] =	vst v63  }
0x37: {  	v3 =	vadd.s32 v1, v3  }
0x38: {  	[tilespmem:s24], [sflag:$0x1] =	stream.indirect_vreg.gather [hbm4b:s5+s3], $0x80, v4, vm0, $0xb8;
	[tilespmem:$0x18100] =	vst v63  }
0x39: {  	_ = 	snop  }
0x3a: {  	[tilespmem:s25], [sflag:$0x1] =	stream.indirect_vreg.gather [hbm4b:s6+s3], $0x80, v4, vm0, $0xb8;
	[tilespmem:$0x18100] =	vst v63  }
0x3b: {  	_ = 	snop  }
0x3c: {  	[tilespmem:s26], [sflag:$0x1] =	stream.indirect_vreg.gather [hbm4b:s2+s3], $0x80, v3, vm0, $0xb8;
	[tilespmem:$0x18100] =	vst v63  }
0x3d: {  	_ = 	snop  }
0x3e: {  	[tilespmem:s28], [sflag:$0x1] =	stream.indirect_vreg.gather [hbm4b:s5+s3], $0x80, v3, vm0, $0xb8;
	[tilespmem:$0x18100] =	vst v63  }
0x3f: {  	_ = 	snop  }
0x40: {  	[tilespmem:s29], [sflag:$0x1] =	stream.indirect_vreg.gather [hbm4b:s6+s3], $0x80, v3, vm0, $0xb8;
	[tilespmem:$0x18100] =	vst v63  }
0x41: {  	v3 =	vld [tilespmem:$0x20];
	_ =	sdelay $0x4  }
0x42: {  	v50 =	vshrl.u32 v3, $0x3  }
0x43: {  	v4 =	vmul.u32 $0x30, v50  }
0x44: {  	v3 =	vand.u32 $0x7, v3  }
0x45: {  	v3 =	vor.u32 v3, v4  }
0x46: {  	v4 =	vperm.xlane v3, v0;
	_ =	sdelay $0x1  }
0x47: {  	v4 =	vadd.s32 v1, v4;
	_ =	sdelay $0x3  }
0x48: {  	s9 =	simm.s32 $0x6100;
	v3 =	vperm.xlane v3, v2  }
0x49: {  	[tilespmem:s9], [sflag:$0x2] =	stream.indirect_vreg.gather [hbm4b:s2+s3], $0x80, v4, vm0, $0xb8;
	[tilespmem:$0x18100] =	vst v63  }
0x4a: {  	v3 =	vadd.s32 v1, v3  }
0x4b: {  	[tilespmem:s30], [sflag:$0x2] =	stream.indirect_vreg.gather [hbm4b:s5+s3], $0x80, v4, vm0, $0xb8;
	[tilespmem:$0x18100] =	vst v63  }
0x4c: {  	_ = 	snop  }
0x4d: {  	[tilespmem:s31], [sflag:$0x2] =	stream.indirect_vreg.gather [hbm4b:s6+s3], $0x80, v4, vm0, $0xb8;
	[tilespmem:$0x18100] =	vst v63  }
0x4e: {  	s10 =	simm.s32 $0x7900  }
0x4f: {  	[tilespmem:s10], [sflag:$0x2] =	stream.indirect_vreg.gather [hbm4b:s2+s3], $0x80, v3, vm0, $0xb8;
	[tilespmem:$0x18100] =	vst v63  }
0x50: {  	s10 =	simm.s32 $0x8100  }
0x51: {  	[tilespmem:s10], [sflag:$0x2] =	stream.indirect_vreg.gather [hbm4b:s5+s3], $0x80, v3, vm0, $0xb8;
	[tilespmem:$0x18100] =	vst v63  }
0x52: {  	s12 =	simm.s32 $0x8900  }
0x53: {  	[tilespmem:s12], [sflag:$0x2] =	stream.indirect_vreg.gather [hbm4b:s6+s3], $0x80, v3, vm0, $0xb8;
	[tilespmem:$0x18100] =	vst v63  }
0x54: {  	v3 =	vld [tilespmem:$0x30];
	_ =	sdelay $0x4  }
0x55: {  	v51 =	vshrl.u32 v3, $0x3  }
0x56: {  	v4 =	vmul.u32 $0x30, v51  }
0x57: {  	v3 =	vand.u32 $0x7, v3  }
0x58: {  	v3 =	vor.u32 v3, v4  }
0x59: {  	v4 =	vperm.xlane v3, v0;
	_ =	sdelay $0x1  }
0x5a: {  	v4 =	vadd.s32 v1, v4;
	_ =	sdelay $0x3  }
0x5b: {  	s9 =	simm.s32 $0x9100;
	v3 =	vperm.xlane v3, v2  }
0x5c: {  	[tilespmem:s9], [sflag:$0x2] =	stream.indirect_vreg.gather [hbm4b:s2+s3], $0x80, v4, vm0, $0xb8;
	[tilespmem:$0x18100] =	vst v63  }
0x5d: {  	v3 =	vadd.s32 v1, v3  }
0x5e: {  	[tilespmem:s22], [sflag:$0x2] =	stream.indirect_vreg.gather [hbm4b:s5+s3], $0x80, v4, vm0, $0xb8;
	[tilespmem:$0x18100] =	vst v63  }
0x5f: {  	s12 =	simm.s32 $0xA100  }
0x60: {  	[tilespmem:s12], [sflag:$0x2] =	stream.indirect_vreg.gather [hbm4b:s6+s3], $0x80, v4, vm0, $0xb8;
	[tilespmem:$0x18100] =	vst v63  }
0x61: {  	_ = 	snop  }
0x62: {  	[tilespmem:s21], [sflag:$0x2] =	stream.indirect_vreg.gather [hbm4b:s2+s3], $0x80, v3, vm0, $0xb8;
	[tilespmem:$0x18100] =	vst v63  }
0x63: {  	_ = 	snop  }
0x64: {  	[tilespmem:s13], [sflag:$0x2] =	stream.indirect_vreg.gather [hbm4b:s5+s3], $0x80, v3, vm0, $0xb8;
	[tilespmem:$0x18100] =	vst v63  }
0x65: {  	_ = 	snop  }
0x66: {  	[tilespmem:s14], [sflag:$0x2] =	stream.indirect_vreg.gather [hbm4b:s6+s3], $0x80, v3, vm0, $0xb8;
	[tilespmem:$0x18100] =	vst v63  }
0x67: {  	v3 =	vld [tilespmem:$0x40];
	_ =	sdelay $0x4  }
0x68: {  	v52 =	vshrl.u32 v3, $0x3  }
0x69: {  	v4 =	vmul.u32 $0x30, v52  }
0x6a: {  	v3 =	vand.u32 $0x7, v3  }
0x6b: {  	v3 =	vor.u32 v3, v4  }
0x6c: {  	v4 =	vperm.xlane v3, v0;
	_ =	sdelay $0x1  }
0x6d: {  	v4 =	vadd.s32 v1, v4;
	_ =	sdelay $0x3  }
0x6e: {  	v3 =	vperm.xlane v3, v2  }
0x6f: {  	[tilespmem:s4], [sflag:$0x3] =	stream.indirect_vreg.gather [hbm4b:s2+s3], $0x80, v4, vm0, $0xb8;
	[tilespmem:$0x18100] =	vst v63  }
0x70: {  	s15 =	simm.s32 $0xC900;
	v3 =	vadd.s32 v1, v3  }
0x71: {  	[tilespmem:s15], [sflag:$0x3] =	stream.indirect_vreg.gather [hbm4b:s5+s3], $0x80, v4, vm0, $0xb8;
	[tilespmem:$0x18100] =	vst v63  }
0x72: {  	s7 =	simm.s32 $0xD100  }
0x73: {  	[tilespmem:s7], [sflag:$0x3] =	stream.indirect_vreg.gather [hbm4b:s6+s3], $0x80, v4, vm0, $0xb8;
	[tilespmem:$0x18100] =	vst v63  }
0x74: {  	s15 =	simm.s32 $0xD900  }
0x75: {  	[tilespmem:s15], [sflag:$0x3] =	stream.indirect_vreg.gather [hbm4b:s2+s3], $0x80, v3, vm0, $0xb8;
	[tilespmem:$0x18100] =	vst v63  }
0x76: {  	s7 =	simm.s32 $0xE100  }
0x77: {  	[tilespmem:s7], [sflag:$0x3] =	stream.indirect_vreg.gather [hbm4b:s5+s3], $0x80, v3, vm0, $0xb8;
	[tilespmem:$0x18100] =	vst v63  }
0x78: {  	s15 =	simm.s32 $0xE900  }
0x79: {  	[tilespmem:s15], [sflag:$0x3] =	stream.indirect_vreg.gather [hbm4b:s6+s3], $0x80, v3, vm0, $0xb8;
	[tilespmem:$0x18100] =	vst v63  }
0x7a: {  	v3 =	vld [tilespmem:$0x50];
	_ =	sdelay $0x4  }
0x7b: {  	v53 =	vshrl.u32 v3, $0x3  }
0x7c: {  	v4 =	vmul.u32 $0x30, v53  }
0x7d: {  	v3 =	vand.u32 $0x7, v3  }
0x7e: {  	v3 =	vor.u32 v3, v4  }
0x7f: {  	v4 =	vperm.xlane v3, v0;
	_ =	sdelay $0x1  }
0x80: {  	v4 =	vadd.s32 v1, v4;
	_ =	sdelay $0x3  }
0x81: {  	s7 =	simm.s32 $0xF100;
	v3 =	vperm.xlane v3, v2  }
0x82: {  	[tilespmem:s7], [sflag:$0x3] =	stream.indirect_vreg.gather [hbm4b:s2+s3], $0x80, v4, vm0, $0xb8;
	[tilespmem:$0x18100] =	vst v63  }
0x83: {  	s15 =	simm.s32 $0xF900;
	v3 =	vadd.s32 v1, v3  }
0x84: {  	[tilespmem:s15], [sflag:$0x3] =	stream.indirect_vreg.gather [hbm4b:s5+s3], $0x80, v4, vm0, $0xb8;
	[tilespmem:$0x18100] =	vst v63  }
0x85: {  	s7 =	simm.s32 $0x10100  }
0x86: {  	[tilespmem:s7], [sflag:$0x3] =	stream.indirect_vreg.gather [hbm4b:s6+s3], $0x80, v4, vm0, $0xb8;
	[tilespmem:$0x18100] =	vst v63  }
0x87: {  	s15 =	simm.s32 $0x10900  }
0x88: {  	[tilespmem:s15], [sflag:$0x3] =	stream.indirect_vreg.gather [hbm4b:s2+s3], $0x80, v3, vm0, $0xb8;
	[tilespmem:$0x18100] =	vst v63  }
0x89: {  	s7 =	simm.s32 $0x11100  }
0x8a: {  	[tilespmem:s7], [sflag:$0x3] =	stream.indirect_vreg.gather [hbm4b:s5+s3], $0x80, v3, vm0, $0xb8;
	[tilespmem:$0x18100] =	vst v63  }
0x8b: {  	s15 =	simm.s32 $0x11900  }
0x8c: {  	[tilespmem:s15], [sflag:$0x3] =	stream.indirect_vreg.gather [hbm4b:s6+s3], $0x80, v3, vm0, $0xb8;
	[tilespmem:$0x18100] =	vst v63  }
0x8d: {  	v3 =	vld [tilespmem:$0x60];
	_ =	sdelay $0x4  }
0x8e: {  	v54 =	vshrl.u32 v3, $0x3  }
0x8f: {  	v4 =	vmul.u32 $0x30, v54  }
0x90: {  	v3 =	vand.u32 $0x7, v3  }
0x91: {  	v3 =	vor.u32 v3, v4  }
0x92: {  	v4 =	vperm.xlane v3, v0;
	_ =	sdelay $0x1  }
0x93: {  	v4 =	vadd.s32 v1, v4;
	_ =	sdelay $0x3  }
0x94: {  	v3 =	vperm.xlane v3, v2  }
0x95: {  	[tilespmem:s1], [sflag:$0x4] =	stream.indirect_vreg.gather [hbm4b:s2+s3], $0x80, v4, vm0, $0xb8;
	[tilespmem:$0x18100] =	vst v63  }
0x96: {  	s7 =	simm.s32 $0x12900;
	v3 =	vadd.s32 v1, v3  }
0x97: {  	[tilespmem:s7], [sflag:$0x4] =	stream.indirect_vreg.gather [hbm4b:s5+s3], $0x80, v4, vm0, $0xb8;
	[tilespmem:$0x18100] =	vst v63  }
0x98: {  	s15 =	simm.s32 $0x13100  }
0x99: {  	[tilespmem:s15], [sflag:$0x4] =	stream.indirect_vreg.gather [hbm4b:s6+s3], $0x80, v4, vm0, $0xb8;
	[tilespmem:$0x18100] =	vst v63  }
0x9a: {  	s7 =	simm.s32 $0x13900  }
0x9b: {  	[tilespmem:s7], [sflag:$0x4] =	stream.indirect_vreg.gather [hbm4b:s2+s3], $0x80, v3, vm0, $0xb8;
	[tilespmem:$0x18100] =	vst v63  }
0x9c: {  	s15 =	simm.s32 $0x14100  }
0x9d: {  	[tilespmem:s15], [sflag:$0x4] =	stream.indirect_vreg.gather [hbm4b:s5+s3], $0x80, v3, vm0, $0xb8;
	[tilespmem:$0x18100] =	vst v63  }
0x9e: {  	s7 =	simm.s32 $0x14900  }
0x9f: {  	[tilespmem:s7], [sflag:$0x4] =	stream.indirect_vreg.gather [hbm4b:s6+s3], $0x80, v3, vm0, $0xb8;
	[tilespmem:$0x18100] =	vst v63  }
0xa0: {  	v3 =	vld [tilespmem:$0x70];
	_ =	sdelay $0x4  }
0xa1: {  	v55 =	vshrl.u32 v3, $0x3  }
0xa2: {  	v4 =	vmul.u32 $0x30, v55  }
0xa3: {  	v3 =	vand.u32 $0x7, v3  }
0xa4: {  	v3 =	vor.u32 v3, v4  }
0xa5: {  	v4 =	vperm.xlane v3, v0;
	_ =	sdelay $0x1  }
0xa6: {  	v4 =	vadd.s32 v1, v4;
	_ =	sdelay $0x3  }
0xa7: {  	s15 =	simm.s32 $0x15100;
	v3 =	vperm.xlane v3, v2  }
0xa8: {  	[tilespmem:s15], [sflag:$0x4] =	stream.indirect_vreg.gather [hbm4b:s2+s3], $0x80, v4, vm0, $0xb8;
	[tilespmem:$0x18100] =	vst v63  }
0xa9: {  	s7 =	simm.s32 $0x15900;
	v3 =	vadd.s32 v1, v3  }
0xaa: {  	[tilespmem:s7], [sflag:$0x4] =	stream.indirect_vreg.gather [hbm4b:s5+s3], $0x80, v4, vm0, $0xb8;
	[tilespmem:$0x18100] =	vst v63  }
0xab: {  	s15 =	simm.s32 $0x16100  }
0xac: {  	[tilespmem:s15], [sflag:$0x4] =	stream.indirect_vreg.gather [hbm4b:s6+s3], $0x80, v4, vm0, $0xb8;
	[tilespmem:$0x18100] =	vst v63  }
0xad: {  	s7 =	simm.s32 $0x16900  }
0xae: {  	[tilespmem:s7], [sflag:$0x4] =	stream.indirect_vreg.gather [hbm4b:s2+s3], $0x80, v3, vm0, $0xb8;
	[tilespmem:$0x18100] =	vst v63  }
0xaf: {  	s15 =	simm.s32 $0x17100  }
0xb0: {  	[tilespmem:s15], [sflag:$0x4] =	stream.indirect_vreg.gather [hbm4b:s5+s3], $0x80, v3, vm0, $0xb8;
	[tilespmem:$0x18100] =	vst v63  }
0xb1: {  	s0 =	simm.s32 $0x1;
	s7 =	simm.s32 $0x17900  }
0xb2: {  	[tilespmem:s7], [sflag:$0x4] =	stream.indirect_vreg.gather [hbm4b:s6+s3], $0x80, v3, vm0, $0xb8;
	[tilespmem:$0x18100] =	vst v63  }
0xb3: {  	_ =	swait.ge [sflag:s0], $0x6000  }
0xb4: {  	[sflag:s0] =	ssyncset.done $0x0  }
0xb5: {  	s7 =	simm.s32 $0x100;
	s15 =	rddreg [dreg:$0xc];
	[sflag:s0] =	ssyncadd.s32 $0xFFFFA000  }
0xb6: {  	[hbm4b:s15+s3] =	stream.linear.scatter [tilespmem:s7], [sflag:$0x5], $0x6000, $0x38;
	[tilespmem:$0x18100] =	vst v63  }
0xb7: {  	_ =	swait.ge [sflag:s8], $0x6000  }
0xb8: {  	[sflag:s8] =	ssyncset.done $0x0  }
0xb9: {  	[sflag:s8] =	ssyncadd.s32 $0xFFFFA000  }
0xba: {  	v3 =	vld [tilespmem:$0x80];
	_ =	sdelay $0x4  }
0xbb: {  	v56 =	vshrl.u32 v3, $0x3  }
0xbc: {  	v4 =	vmul.u32 $0x30, v56  }
0xbd: {  	v3 =	vand.u32 $0x7, v3  }
0xbe: {  	v3 =	vor.u32 v3, v4  }
0xbf: {  	v4 =	vperm.xlane v3, v0;
	_ =	sdelay $0x1  }
0xc0: {  	v4 =	vadd.s32 v1, v4;
	_ =	sdelay $0x3  }
0xc1: {  	v3 =	vperm.xlane v3, v2  }
0xc2: {  	[tilespmem:s7], [sflag:$0x1] =	stream.indirect_vreg.gather [hbm4b:s2+s3], $0x80, v4, vm0, $0xb8;
	[tilespmem:$0x18100] =	vst v63  }
0xc3: {  	v3 =	vadd.s32 v1, v3  }
0xc4: {  	[tilespmem:s16], [sflag:$0x1] =	stream.indirect_vreg.gather [hbm4b:s5+s3], $0x80, v4, vm0, $0xb8;
	[tilespmem:$0x18100] =	vst v63  }
0xc5: {  	_ = 	snop  }
0xc6: {  	[tilespmem:s17], [sflag:$0x1] =	stream.indirect_vreg.gather [hbm4b:s6+s3], $0x80, v4, vm0, $0xb8;
	[tilespmem:$0x18100] =	vst v63  }
0xc7: {  	_ = 	snop  }
0xc8: {  	[tilespmem:s18], [sflag:$0x1] =	stream.indirect_vreg.gather [hbm4b:s2+s3], $0x80, v3, vm0, $0xb8;
	[tilespmem:$0x18100] =	vst v63  }
0xc9: {  	_ = 	snop  }
0xca: {  	[tilespmem:s19], [sflag:$0x1] =	stream.indirect_vreg.gather [hbm4b:s5+s3], $0x80, v3, vm0, $0xb8;
	[tilespmem:$0x18100] =	vst v63  }
0xcb: {  	_ = 	snop  }
0xcc: {  	[tilespmem:s20], [sflag:$0x1] =	stream.indirect_vreg.gather [hbm4b:s6+s3], $0x80, v3, vm0, $0xb8;
	[tilespmem:$0x18100] =	vst v63  }
0xcd: {  	v3 =	vld [tilespmem:$0x90];
	_ =	sdelay $0x4  }
0xce: {  	v57 =	vshrl.u32 v3, $0x3  }
0xcf: {  	v4 =	vmul.u32 $0x30, v57  }
0xd0: {  	v3 =	vand.u32 $0x7, v3  }
0xd1: {  	v3 =	vor.u32 v3, v4  }
0xd2: {  	v4 =	vperm.xlane v3, v0;
	_ =	sdelay $0x1  }
0xd3: {  	v4 =	vadd.s32 v1, v4;
	_ =	sdelay $0x3  }
0xd4: {  	v3 =	vperm.xlane v3, v2  }
0xd5: {  	[tilespmem:s23], [sflag:$0x1] =	stream.indirect_vreg.gather [hbm4b:s2+s3], $0x80, v4, vm0, $0xb8;
	[tilespmem:$0x18100] =	vst v63  }
0xd6: {  	v3 =	vadd.s32 v1, v3  }
0xd7: {  	[tilespmem:s24], [sflag:$0x1] =	stream.indirect_vreg.gather [hbm4b:s5+s3], $0x80, v4, vm0, $0xb8;
	[tilespmem:$0x18100] =	vst v63  }
0xd8: {  	_ = 	snop  }
0xd9: {  	[tilespmem:s25], [sflag:$0x1] =	stream.indirect_vreg.gather [hbm4b:s6+s3], $0x80, v4, vm0, $0xb8;
	[tilespmem:$0x18100] =	vst v63  }
0xda: {  	_ = 	snop  }
0xdb: {  	[tilespmem:s26], [sflag:$0x1] =	stream.indirect_vreg.gather [hbm4b:s2+s3], $0x80, v3, vm0, $0xb8;
	[tilespmem:$0x18100] =	vst v63  }
0xdc: {  	_ = 	snop  }
0xdd: {  	[tilespmem:s28], [sflag:$0x1] =	stream.indirect_vreg.gather [hbm4b:s5+s3], $0x80, v3, vm0, $0xb8;
	[tilespmem:$0x18100] =	vst v63  }
0xde: {  	s16 =	simm.s32 $0x2  }
0xdf: {  	[tilespmem:s29], [sflag:$0x1] =	stream.indirect_vreg.gather [hbm4b:s6+s3], $0x80, v3, vm0, $0xb8;
	[tilespmem:$0x18100] =	vst v63  }
0xe0: {  	_ =	swait.ge [sflag:s16], $0x6000  }
0xe1: {  	[sflag:s16] =	ssyncset.done $0x0  }
0xe2: {  	s7 =	simm.s32 $0x6100;
	s15 =	rddreg [dreg:$0x5];
	[sflag:s16] =	ssyncadd.s32 $0xFFFFA000  }
0xe3: {  	[hbm4b:s15+s3] =	stream.linear.scatter [tilespmem:s7], [sflag:$0x5], $0x6000, $0x38;
	[tilespmem:$0x18100] =	vst v63  }
0xe4: {  	_ =	swait.ge [sflag:s8], $0x6000  }
0xe5: {  	[sflag:s8] =	ssyncset.done $0x0  }
0xe6: {  	[sflag:s8] =	ssyncadd.s32 $0xFFFFA000  }
0xe7: {  	v3 =	vld [tilespmem:$0xA0];
	_ =	sdelay $0x4  }
0xe8: {  	v58 =	vshrl.u32 v3, $0x3  }
0xe9: {  	v4 =	vmul.u32 $0x30, v58  }
0xea: {  	v3 =	vand.u32 $0x7, v3  }
0xeb: {  	v3 =	vor.u32 v3, v4  }
0xec: {  	v4 =	vperm.xlane v3, v0;
	_ =	sdelay $0x1  }
0xed: {  	v4 =	vadd.s32 v1, v4;
	_ =	sdelay $0x3  }
0xee: {  	v3 =	vperm.xlane v3, v2  }
0xef: {  	[tilespmem:s7], [sflag:$0x2] =	stream.indirect_vreg.gather [hbm4b:s2+s3], $0x80, v4, vm0, $0xb8;
	[tilespmem:$0x18100] =	vst v63  }
0xf0: {  	v3 =	vadd.s32 v1, v3  }
0xf1: {  	[tilespmem:s30], [sflag:$0x2] =	stream.indirect_vreg.gather [hbm4b:s5+s3], $0x80, v4, vm0, $0xb8;
	[tilespmem:$0x18100] =	vst v63  }
0xf2: {  	_ = 	snop  }
0xf3: {  	[tilespmem:s31], [sflag:$0x2] =	stream.indirect_vreg.gather [hbm4b:s6+s3], $0x80, v4, vm0, $0xb8;
	[tilespmem:$0x18100] =	vst v63  }
0xf4: {  	s15 =	simm.s32 $0x7900  }
0xf5: {  	[tilespmem:s15], [sflag:$0x2] =	stream.indirect_vreg.gather [hbm4b:s2+s3], $0x80, v3, vm0, $0xb8;
	[tilespmem:$0x18100] =	vst v63  }
0xf6: {  	_ = 	snop  }
0xf7: {  	[tilespmem:s10], [sflag:$0x2] =	stream.indirect_vreg.gather [hbm4b:s5+s3], $0x80, v3, vm0, $0xb8;
	[tilespmem:$0x18100] =	vst v63  }
0xf8: {  	s15 =	simm.s32 $0x8900  }
0xf9: {  	[tilespmem:s15], [sflag:$0x2] =	stream.indirect_vreg.gather [hbm4b:s6+s3], $0x80, v3, vm0, $0xb8;
	[tilespmem:$0x18100] =	vst v63  }
0xfa: {  	v3 =	vld [tilespmem:$0xB0];
	_ =	sdelay $0x4  }
0xfb: {  	v59 =	vshrl.u32 v3, $0x3  }
0xfc: {  	v4 =	vmul.u32 $0x30, v59  }
0xfd: {  	v3 =	vand.u32 $0x7, v3  }
0xfe: {  	v3 =	vor.u32 v3, v4  }
0xff: {  	v4 =	vperm.xlane v3, v0;
	_ =	sdelay $0x1  }
0x100: {  	v4 =	vadd.s32 v1, v4;
	_ =	sdelay $0x3  }
0x101: {  	v3 =	vperm.xlane v3, v2  }
0x102: {  	[tilespmem:s9], [sflag:$0x2] =	stream.indirect_vreg.gather [hbm4b:s2+s3], $0x80, v4, vm0, $0xb8;
	[tilespmem:$0x18100] =	vst v63  }
0x103: {  	v3 =	vadd.s32 v1, v3  }
0x104: {  	[tilespmem:s22], [sflag:$0x2] =	stream.indirect_vreg.gather [hbm4b:s5+s3], $0x80, v4, vm0, $0xb8;
	[tilespmem:$0x18100] =	vst v63  }
0x105: {  	_ = 	snop  }
0x106: {  	[tilespmem:s12], [sflag:$0x2] =	stream.indirect_vreg.gather [hbm4b:s6+s3], $0x80, v4, vm0, $0xb8;
	[tilespmem:$0x18100] =	vst v63  }
0x107: {  	_ = 	snop  }
0x108: {  	[tilespmem:s21], [sflag:$0x2] =	stream.indirect_vreg.gather [hbm4b:s2+s3], $0x80, v3, vm0, $0xb8;
	[tilespmem:$0x18100] =	vst v63  }
0x109: {  	_ = 	snop  }
0x10a: {  	[tilespmem:s13], [sflag:$0x2] =	stream.indirect_vreg.gather [hbm4b:s5+s3], $0x80, v3, vm0, $0xb8;
	[tilespmem:$0x18100] =	vst v63  }
0x10b: {  	s9 =	simm.s32 $0x3  }
0x10c: {  	[tilespmem:s14], [sflag:$0x2] =	stream.indirect_vreg.gather [hbm4b:s6+s3], $0x80, v3, vm0, $0xb8;
	[tilespmem:$0x18100] =	vst v63  }
0x10d: {  	_ =	swait.ge [sflag:s9], $0x6000  }
0x10e: {  	[sflag:s9] =	ssyncset.done $0x0  }
0x10f: {  	s12 =	rddreg [dreg:$0x6];
	[sflag:s9] =	ssyncadd.s32 $0xFFFFA000  }
0x110: {  	[hbm4b:s12+s3] =	stream.linear.scatter [tilespmem:s4], [sflag:$0x5], $0x6000, $0x38;
	[tilespmem:$0x18100] =	vst v63  }
0x111: {  	_ =	swait.ge [sflag:s8], $0x6000  }
0x112: {  	[sflag:s8] =	ssyncset.done $0x0  }
0x113: {  	[sflag:s8] =	ssyncadd.s32 $0xFFFFA000  }
0x114: {  	v3 =	vld [tilespmem:$0xC0];
	_ =	sdelay $0x4  }
0x115: {  	v60 =	vshrl.u32 v3, $0x3  }
0x116: {  	v4 =	vmul.u32 $0x30, v60  }
0x117: {  	v3 =	vand.u32 $0x7, v3  }
0x118: {  	v3 =	vor.u32 v3, v4  }
0x119: {  	v4 =	vperm.xlane v3, v0;
	_ =	sdelay $0x1  }
0x11a: {  	v4 =	vadd.s32 v1, v4;
	_ =	sdelay $0x3  }
0x11b: {  	v3 =	vperm.xlane v3, v2  }
0x11c: {  	[tilespmem:s4], [sflag:$0x3] =	stream.indirect_vreg.gather [hbm4b:s2+s3], $0x80, v4, vm0, $0xb8;
	[tilespmem:$0x18100] =	vst v63  }
0x11d: {  	s15 =	simm.s32 $0xC900;
	v3 =	vadd.s32 v1, v3  }
0x11e: {  	[tilespmem:s15], [sflag:$0x3] =	stream.indirect_vreg.gather [hbm4b:s5+s3], $0x80, v4, vm0, $0xb8;
	[tilespmem:$0x18100] =	vst v63  }
0x11f: {  	s12 =	simm.s32 $0xD100  }
0x120: {  	[tilespmem:s12], [sflag:$0x3] =	stream.indirect_vreg.gather [hbm4b:s6+s3], $0x80, v4, vm0, $0xb8;
	[tilespmem:$0x18100] =	vst v63  }
0x121: {  	s15 =	simm.s32 $0xD900  }
0x122: {  	[tilespmem:s15], [sflag:$0x3] =	stream.indirect_vreg.gather [hbm4b:s2+s3], $0x80, v3, vm0, $0xb8;
	[tilespmem:$0x18100] =	vst v63  }
0x123: {  	s12 =	simm.s32 $0xE100  }
0x124: {  	[tilespmem:s12], [sflag:$0x3] =	stream.indirect_vreg.gather [hbm4b:s5+s3], $0x80, v3, vm0, $0xb8;
	[tilespmem:$0x18100] =	vst v63  }
0x125: {  	s15 =	simm.s32 $0xE900  }
0x126: {  	[tilespmem:s15], [sflag:$0x3] =	stream.indirect_vreg.gather [hbm4b:s6+s3], $0x80, v3, vm0, $0xb8;
	[tilespmem:$0x18100] =	vst v63  }
0x127: {  	v3 =	vld [tilespmem:$0xD0];
	_ =	sdelay $0x4  }
0x128: {  	v61 =	vshrl.u32 v3, $0x3  }
0x129: {  	v4 =	vmul.u32 $0x30, v61  }
0x12a: {  	v3 =	vand.u32 $0x7, v3  }
0x12b: {  	v3 =	vor.u32 v3, v4  }
0x12c: {  	v4 =	vperm.xlane v3, v0;
	_ =	sdelay $0x1  }
0x12d: {  	v4 =	vadd.s32 v1, v4;
	_ =	sdelay $0x3  }
0x12e: {  	s12 =	simm.s32 $0xF100;
	v3 =	vperm.xlane v3, v2  }
0x12f: {  	[tilespmem:s12], [sflag:$0x3] =	stream.indirect_vreg.gather [hbm4b:s2+s3], $0x80, v4, vm0, $0xb8;
	[tilespmem:$0x18100] =	vst v63  }
0x130: {  	s15 =	simm.s32 $0xF900;
	v3 =	vadd.s32 v1, v3  }
0x131: {  	[tilespmem:s15], [sflag:$0x3] =	stream.indirect_vreg.gather [hbm4b:s5+s3], $0x80, v4, vm0, $0xb8;
	[tilespmem:$0x18100] =	vst v63  }
0x132: {  	s12 =	simm.s32 $0x10100  }
0x133: {  	[tilespmem:s12], [sflag:$0x3] =	stream.indirect_vreg.gather [hbm4b:s6+s3], $0x80, v4, vm0, $0xb8;
	[tilespmem:$0x18100] =	vst v63  }
0x134: {  	s15 =	simm.s32 $0x10900  }
0x135: {  	[tilespmem:s15], [sflag:$0x3] =	stream.indirect_vreg.gather [hbm4b:s2+s3], $0x80, v3, vm0, $0xb8;
	[tilespmem:$0x18100] =	vst v63  }
0x136: {  	s12 =	simm.s32 $0x11100  }
0x137: {  	[tilespmem:s12], [sflag:$0x3] =	stream.indirect_vreg.gather [hbm4b:s5+s3], $0x80, v3, vm0, $0xb8;
	[tilespmem:$0x18100] =	vst v63  }
0x138: {  	s10 =	simm.s32 $0x4;
	s15 =	simm.s32 $0x11900  }
0x139: {  	[tilespmem:s15], [sflag:$0x3] =	stream.indirect_vreg.gather [hbm4b:s6+s3], $0x80, v3, vm0, $0xb8;
	[tilespmem:$0x18100] =	vst v63  }
0x13a: {  	_ =	swait.ge [sflag:s10], $0x6000  }
0x13b: {  	[sflag:s10] =	ssyncset.done $0x0  }
0x13c: {  	s12 =	rddreg [dreg:$0x7];
	[sflag:s10] =	ssyncadd.s32 $0xFFFFA000  }
0x13d: {  	[hbm4b:s12+s3] =	stream.linear.scatter [tilespmem:s1], [sflag:$0x5], $0x6000, $0x38;
	[tilespmem:$0x18100] =	vst v63  }
0x13e: {  	_ =	swait.ge [sflag:s8], $0x6000  }
0x13f: {  	[sflag:s8] =	ssyncset.done $0x0  }
0x140: {  	[sflag:s8] =	ssyncadd.s32 $0xFFFFA000  }
0x141: {  	v3 =	vld [tilespmem:$0xE0];
	_ =	sdelay $0x4  }
0x142: {  	v62 =	vshrl.u32 v3, $0x3  }
0x143: {  	v4 =	vmul.u32 $0x30, v62  }
0x144: {  	v3 =	vand.u32 $0x7, v3  }
0x145: {  	v3 =	vor.u32 v3, v4  }
0x146: {  	v4 =	vperm.xlane v3, v0;
	_ =	sdelay $0x1  }
0x147: {  	v4 =	vadd.s32 v1, v4;
	_ =	sdelay $0x3  }
0x148: {  	v3 =	vperm.xlane v3, v2  }
0x149: {  	[tilespmem:s1], [sflag:$0x4] =	stream.indirect_vreg.gather [hbm4b:s2+s3], $0x80, v4, vm0, $0xb8;
	[tilespmem:$0x18100] =	vst v63  }
0x14a: {  	s15 =	simm.s32 $0x12900;
	v3 =	vadd.s32 v1, v3  }
0x14b: {  	[tilespmem:s15], [sflag:$0x4] =	stream.indirect_vreg.gather [hbm4b:s5+s3], $0x80, v4, vm0, $0xb8;
	[tilespmem:$0x18100] =	vst v63  }
0x14c: {  	s15 =	simm.s32 $0x13100  }
0x14d: {  	[tilespmem:s15], [sflag:$0x4] =	stream.indirect_vreg.gather [hbm4b:s6+s3], $0x80, v4, vm0, $0xb8;
	[tilespmem:$0x18100] =	vst v63  }
0x14e: {  	s15 =	simm.s32 $0x13900  }
0x14f: {  	[tilespmem:s15], [sflag:$0x4] =	stream.indirect_vreg.gather [hbm4b:s2+s3], $0x80, v3, vm0, $0xb8;
	[tilespmem:$0x18100] =	vst v63  }
0x150: {  	s15 =	simm.s32 $0x14100  }
0x151: {  	[tilespmem:s15], [sflag:$0x4] =	stream.indirect_vreg.gather [hbm4b:s5+s3], $0x80, v3, vm0, $0xb8;
	[tilespmem:$0x18100] =	vst v63  }
0x152: {  	s15 =	simm.s32 $0x14900  }
0x153: {  	[tilespmem:s15], [sflag:$0x4] =	stream.indirect_vreg.gather [hbm4b:s6+s3], $0x80, v3, vm0, $0xb8;
	[tilespmem:$0x18100] =	vst v63  }
0x154: {  	v3 =	vld [tilespmem:$0xF0];
	_ =	sdelay $0x4  }
0x155: {  	v63 =	vshrl.u32 v3, $0x3  }
0x156: {  	v4 =	vmul.u32 $0x30, v63  }
0x157: {  	v3 =	vand.u32 $0x7, v3  }
0x158: {  	v3 =	vor.u32 v3, v4  }
0x159: {  	v4 =	vperm.xlane v3, v0;
	_ =	sdelay $0x1  }
0x15a: {  	v4 =	vadd.s32 v1, v4;
	_ =	sdelay $0x3  }
0x15b: {  	s15 =	simm.s32 $0x15100;
	v3 =	vperm.xlane v3, v2  }
0x15c: {  	[tilespmem:s15], [sflag:$0x4] =	stream.indirect_vreg.gather [hbm4b:s2+s3], $0x80, v4, vm0, $0xb8;
	[tilespmem:$0x18100] =	vst v63  }
0x15d: {  	v3 =	vadd.s32 v1, v3;
	s15 =	simm.s32 $0x15900  }
0x15e: {  	[tilespmem:s15], [sflag:$0x4] =	stream.indirect_vreg.gather [hbm4b:s5+s3], $0x80, v4, vm0, $0xb8;
	[tilespmem:$0x18100] =	vst v63  }
0x15f: {  	s15 =	simm.s32 $0x16100  }
0x160: {  	[tilespmem:s15], [sflag:$0x4] =	stream.indirect_vreg.gather [hbm4b:s6+s3], $0x80, v4, vm0, $0xb8;
	[tilespmem:$0x18100] =	vst v63  }
0x161: {  	s15 =	simm.s32 $0x16900  }
0x162: {  	[tilespmem:s15], [sflag:$0x4] =	stream.indirect_vreg.gather [hbm4b:s2+s3], $0x80, v3, vm0, $0xb8;
	[tilespmem:$0x18100] =	vst v63  }
0x163: {  	s15 =	simm.s32 $0x17100  }
0x164: {  	[tilespmem:s15], [sflag:$0x4] =	stream.indirect_vreg.gather [hbm4b:s5+s3], $0x80, v3, vm0, $0xb8;
	[tilespmem:$0x18100] =	vst v63  }
0x165: {  	s15 =	simm.s32 $0x17900  }
0x166: {  	[tilespmem:s15], [sflag:$0x4] =	stream.indirect_vreg.gather [hbm4b:s6+s3], $0x80, v3, vm0, $0xb8;
	[tilespmem:$0x18100] =	vst v63  }
0x167: {  	_ =	swait.ge [sflag:s0], $0x6000  }
0x168: {  	[sflag:s0] =	ssyncset.done $0x0  }
0x169: {  	s12 =	simm.s32 $0x100;
	s15 =	rddreg [dreg:$0x8];
	[sflag:s0] =	ssyncadd.s32 $0xFFFFA000  }
0x16a: {  	[hbm4b:s15+s3] =	stream.linear.scatter [tilespmem:s12], [sflag:$0x5], $0x6000, $0x38;
	[tilespmem:$0x18100] =	vst v63  }
0x16b: {  	_ =	swait.ge [sflag:s8], $0x6000  }
0x16c: {  	[sflag:s8] =	ssyncset.done $0x0  }
0x16d: {  	[sflag:s8] =	ssyncadd.s32 $0xFFFFA000  }
0x16e: {  	_ =	swait.ge [sflag:s16], $0x6000  }
0x16f: {  	[sflag:s16] =	ssyncset.done $0x0  }
0x170: {  	s7 =	simm.s32 $0x6100;
	s0 =	rddreg [dreg:$0x9];
	[sflag:s16] =	ssyncadd.s32 $0xFFFFA000  }
0x171: {  	[hbm4b:s0+s3] =	stream.linear.scatter [tilespmem:s7], [sflag:$0x5], $0x6000, $0x38;
	[tilespmem:$0x18100] =	vst v63  }
0x172: {  	_ =	swait.ge [sflag:s8], $0x6000  }
0x173: {  	[sflag:s8] =	ssyncset.done $0x0  }
0x174: {  	[sflag:s8] =	ssyncadd.s32 $0xFFFFA000  }
0x175: {  	_ =	swait.ge [sflag:s9], $0x6000  }
0x176: {  	[sflag:s9] =	ssyncset.done $0x0  }
0x177: {  	s12 =	rddreg [dreg:$0xa];
	[sflag:s9] =	ssyncadd.s32 $0xFFFFA000  }
0x178: {  	[hbm4b:s12+s3] =	stream.linear.scatter [tilespmem:s4], [sflag:$0x5], $0x6000, $0x38;
	[tilespmem:$0x18100] =	vst v63  }
0x179: {  	_ =	swait.ge [sflag:s8], $0x6000  }
0x17a: {  	[sflag:s8] =	ssyncset.done $0x0  }
0x17b: {  	[sflag:s8] =	ssyncadd.s32 $0xFFFFA000  }
0x17c: {  	_ =	swait.ge [sflag:s10], $0x6000  }
0x17d: {  	p0 =	sne.s32 s11, $0x1;
	[sflag:s10] =	ssyncset.done $0x0  }
.Ltmp0:
0x17e: {  	s16 =	rddreg [dreg:$0xb];
	[sflag:s10] =	ssyncadd.s32 $0xFFFFA000;
	(pc) =	sbr.rel @p0 .LBB2_1-.Ltmp0, $4  }
0x17f: {  	[hbm4b:s16+s3] =	stream.linear.scatter [tilespmem:s1], [sflag:$0x5], $0x6000, $0x38;
	[tilespmem:$0x18100] =	vst v63  }
0x180: {  	_ =	swait.ge [sflag:s8], $0x6000  }
0x181: {  	[sflag:s8] =	ssyncset.done $0x0  }
0x182: {  	s11 =	sadd.s32 $0xFFFFFFFF, s11;
	[sflag:s8] =	ssyncadd.s32 $0xFFFFA000  }
0x183: {  	_ =	sfence.sel $0x180000  }
0x184: {  	[bflag:$0x0] =	sbarrier.arrive $0xFFFF  }
0x185: {  	_ =	strace $0x90000047  }
0x186: {  	s0 =	stileid.u32;
	[bflag:$0x2] =	sbarrier.arrive $0xFFFF  }
0x187: {  	p0 =	sne.s32 s0, $0x0;
	s0 =	rddreg [dreg:$0x3]  }
0x188: {  	s0 =	sadd.s32 @!p0 $0x100000, s0  }
0x189: {  	[sflag:s0] =	ssyncadd.tile.s32 @!p0 $0x1;
	_ =	shalt  }
.Lfunc_end2:
_tile_overlayer_lowered:
.L_overlay_start_2:
0x18a: {  	(tag) =	ssettag $0x2  }
0x18b: {  	s0 =	rddreg [dreg:$0x0];
	s2 =	stileid.u32  }
0x18c: {  	s1 =	rddreg [dreg:$0x1];
	p0 =	sne.s32 s2, $0x0  }
0x18d: {  	s3 =	rddreg [dreg:$0x2];
	[bflag:$0x3] =	sbarrier.arrive $0xFFFF;
	s2 =	simm.s32 @!p0 $0x1C05  }
0x18e: {  	[timem:s3], [sflag:s2] =	dma.local @!p0 [hbm:s0], s1  }
0x18f: {  	s0 =	simm.s32 @!p0 $0x5  }
0x190: {  	_ =	swait.ge @!p0 [sflag:s0], s1  }
0x191: {  	s1 =	ssub.s32 @!p0 $0x0, s1;
	[sflag:s0] =	ssyncset.done @!p0 $0x0  }
0x192: {  	[sflag:s0] =	ssyncadd.s32 @!p0 s1  }
0x193: {  	[bflag:$0x3] =	sbarrier.arrive $0xFFFF  }
0x194: {  	_ =	shalt  }

</sc_bundles>
